<compile_context>
chip_gen: v7x
topology: tpu7x:2x2x1
jax: 0.10.2.dev20260603
libtpu: 0.0.44.dev20260713+nightly
codegen_flags: <defaults>
</compile_context>

<pallas_src>
import functools

import jax
import jax.numpy as jnp
from jax import lax
from jax.experimental import pallas as pl
from jax.experimental.pallas import tpu as pltpu
from jax.experimental.pallas import tpu_sc as plsc

Y_MIN = 0.0
Y_MAX = 1.0
N_BINS = 64
L = 16
NC = 2
NS = 16
NW = NC * NS
ROWS = 16384
COLS = 1024
RPW = ROWS // NW
CR = 8
NCH = RPW // CR
IV = CR * COLS // L
CV = COLS // L
U = 2
INV_STEP = float(N_BINS) / (Y_MAX + 1e-6 - Y_MIN)
EDGES_PAD = 72

_mesh = plsc.VectorSubcoreMesh(core_axis_name="c", subcore_axis_name="s")


@functools.partial(
    pl.kernel,
    mesh=_mesh,
    out_type=[
        jax.ShapeDtypeStruct((NW, N_BINS, L), jnp.float32),
        jax.ShapeDtypeStruct((NW, N_BINS, L), jnp.float32),
    ],
    scratch_types=[
        pltpu.VMEM((EDGES_PAD, L), jnp.float32),
        pltpu.VMEM((CR, COLS), jnp.float32),
        pltpu.VMEM((CR, COLS), jnp.float32),
        pltpu.VMEM((CR, COLS), jnp.float32),
        pltpu.VMEM((CR, COLS), jnp.float32),
        pltpu.VMEM((N_BINS, L), jnp.float32),
        pltpu.VMEM((N_BINS, L), jnp.float32),
        pltpu.SemaphoreType.DMA,
        pltpu.SemaphoreType.DMA,
        pltpu.SemaphoreType.DMA,
        pltpu.SemaphoreType.DMA,
    ],
    compiler_params=pltpu.CompilerParams(needs_layout_passes=False),
)
def _sc_binned(yp_hbm, yt_hbm, edges_hbm, cnt_out, sum_out,
               edges_v, ypb0, ytb0, ypb1, ytb1, cnt_v, sum_v,
               sp0, st0, sp1, st1):
    wid = lax.axis_index("s") * NC + lax.axis_index("c")
    base = wid * RPW
    pltpu.sync_copy(edges_hbm, edges_v)
    zeros = jnp.zeros((L,), jnp.float32)
    for b in range(N_BINS):
        cnt_v[b] = zeros
        sum_v[b] = zeros
    lane = lax.iota(jnp.int32, L)
    ones = jnp.ones((L,), jnp.float32)

    def copies(g, ypb, ytb, sp, st):
        off = base + lax.rem(g, NCH) * CR
        cp = pltpu.make_async_copy(yp_hbm.at[pl.ds(off, CR)], ypb, sp)
        ct = pltpu.make_async_copy(yt_hbm.at[pl.ds(off, CR)], ytb, st)
        return cp, ct

    def start(g, ypb, ytb, sp, st):
        cp, ct = copies(g, ypb, ytb, sp, st)
        cp.start()
        ct.start()

    def wait(g, ypb, ytb, sp, st):
        cp, ct = copies(g, ypb, ytb, sp, st)
        cp.wait()
        ct.wait()

    def process(ypb, ytb, row, col):
        yp = ypb[row, pl.ds(col, L)]
        yt = ytb[row, pl.ds(col, L)]
        d = yp - yt
        m = d * d
        v = m * m
        z = yt * INV_STEP + 8388608.0
        c = plsc.bitcast(z, jnp.int32) & 127
        e = plsc.load_gather(edges_v, [c, lane])
        bidx = jnp.where(e >= yt, c - 1, c)
        plsc.addupdate_scatter(cnt_v, [bidx, lane], ones)
        plsc.addupdate_scatter(sum_v, [bidx, lane], v)

    def compute(ypb, ytb):
        @plsc.parallel_loop(0, IV, unroll=U)
        def vec_body(i):
            row = lax.shift_right_logical(i, 6)
            col = lax.shift_left(lax.bitwise_and(i, CV - 1), 4)
            process(ypb, ytb, row, col)

    start(0, ypb0, ytb0, sp0, st0)

    def chunk_pair(h, carry):
        g = 2 * h
        start(g + 1, ypb1, ytb1, sp1, st1)
        wait(g, ypb0, ytb0, sp0, st0)
        compute(ypb0, ytb0)
        start(g + 2, ypb0, ytb0, sp0, st0)
        wait(g + 1, ypb1, ytb1, sp1, st1)
        compute(ypb1, ytb1)
        return carry

    lax.fori_loop(0, NCH // 2, chunk_pair, 0)
    wait(0, ypb0, ytb0, sp0, st0)
    pltpu.sync_copy(cnt_v, cnt_out.at[wid])
    pltpu.sync_copy(sum_v, sum_out.at[wid])


def _combine_body(cnt_ref, sum_ref, out_ref):
    cnt = jnp.sum(cnt_ref[...], axis=2)
    s = jnp.sum(sum_ref[...], axis=2)
    c_tot = jnp.sum(cnt, axis=0, keepdims=True)
    s_tot = jnp.sum(s, axis=0, keepdims=True)
    nonempty = c_tot > 0.0
    w = jnp.where(nonempty, 1.0 / (c_tot + 1e-6), 0.0)
    ws = jnp.sum(s_tot * w)
    ne = jnp.sum(jnp.where(nonempty, 1.0, 0.0))
    loss = jnp.where(ne == 0.0, 0.0, ws / ne)
    out_ref[...] = loss[None, None]


def kernel(y_pred, y_true):
    edges = jnp.linspace(Y_MIN, Y_MAX + 1e-6, N_BINS + 1, dtype=jnp.float32)
    edges = edges.at[0].set(-1.0)
    edges_pad = jnp.concatenate(
        [edges, jnp.full((EDGES_PAD - (N_BINS + 1),), 2.0, jnp.float32)])
    edges_rep = jnp.tile(edges_pad[:, None], (1, L))
    cnt2d, sum2d = _sc_binned(y_pred, y_true, edges_rep)
    loss2d = pl.pallas_call(
        _combine_body,
        out_shape=jax.ShapeDtypeStruct((1, 1), jnp.float32),
    )(cnt2d, sum2d)
    return loss2d[0, 0]

# --- scband reference (transcript-rebuilt; emitter-appended) ---
"""Pipeline reference for scband-binned-mseloss-1786706395409 (READ-ONLY COPY).

The authoritative reference and input builder live on the scoring server;
editing this copy changes nothing except your own understanding.
"""

import jax, jax.numpy as jnp
import numpy as np

Y_MIN = 0.0
Y_MAX = 1.0
N_BINS = 64
GAMMA = 1.0


def setup_inputs(seed: int = 0) -> dict:
    key = jax.random.key(seed)
    k1, k2 = jax.random.split(key)
    y_pred = jax.random.uniform(k1, (16384, 1024), dtype=jnp.float32)
    y_true = jax.random.uniform(k2, (16384, 1024), dtype=jnp.float32)
    return {"y_pred": y_pred, "y_true": y_true}


def reference(y_pred, y_true):
    bin_edges = jnp.linspace(Y_MIN, Y_MAX + 1e-06, N_BINS + 1, dtype=jnp.float32)
    # torch.bucketize(x, boundaries, right=False) == searchsorted side='left'
    yt_flat = y_true.flatten()
    bin_indices = jnp.searchsorted(bin_edges, yt_flat, side='left') - 1
    bin_indices = jnp.clip(bin_indices, 0, N_BINS - 1)
    bin_counts = jnp.bincount(bin_indices, length=N_BINS)
    weights_per_bin = 1.0 / (bin_counts.astype(jnp.float32) + 1e-06)
    weights_per_bin = jnp.where(bin_counts == 0, 0.0, weights_per_bin)
    bin_weights = weights_per_bin[bin_indices]
    per_sample_mse = ((y_pred - y_true) ** 2).flatten()
    focal_weights = jax.lax.stop_gradient(per_sample_mse) ** GAMMA
    combined_weights = bin_weights * focal_weights
    weighted_loss = per_sample_mse * combined_weights
    num_non_empty_bins = (bin_counts > 0).sum()
    loss = jnp.where(num_non_empty_bins == 0,
                     jnp.float32(0.0),
                     weighted_loss.sum() / num_non_empty_bins.astype(jnp.float32))
    return loss

if __name__ == "__main__":
    import jax
    _d = setup_inputs()
    print(jax.jit(kernel)(*tuple(_d.values())))

</pallas_src>

<mosaic_0001>
#map = affine_map<(d0, d1) -> (0, 0)>
#map1 = affine_map<(d0, d1) -> (0, 0, 0)>
module attributes {stable_mosaic.version = 14 : i64} {
  func.func @_sc_binned(%arg0: i32, %arg1: i32, %arg2: memref<16384x1024xf32, #tpu.memory_space<hbm>>, %arg3: memref<16384x1024xf32, #tpu.memory_space<hbm>>, %arg4: memref<72x16xf32, #tpu.memory_space<hbm>>, %arg5: memref<32x64x16xf32, #tpu.memory_space<hbm>>, %arg6: memref<32x64x16xf32, #tpu.memory_space<hbm>>, %arg7: memref<72x16xf32, #tpu.memory_space<vmem>>, %arg8: memref<8x1024xf32, #tpu.memory_space<vmem>>, %arg9: memref<8x1024xf32, #tpu.memory_space<vmem>>, %arg10: memref<8x1024xf32, #tpu.memory_space<vmem>>, %arg11: memref<8x1024xf32, #tpu.memory_space<vmem>>, %arg12: memref<64x16xf32, #tpu.memory_space<vmem>>, %arg13: memref<64x16xf32, #tpu.memory_space<vmem>>, %arg14: memref<!tpu.dma_semaphore, #tpu.memory_space<semaphore_mem>>, %arg15: memref<!tpu.dma_semaphore, #tpu.memory_space<semaphore_mem>>, %arg16: memref<!tpu.dma_semaphore, #tpu.memory_space<semaphore_mem>>, %arg17: memref<!tpu.dma_semaphore, #tpu.memory_space<semaphore_mem>>) attributes {dimension_semantics = [#tpu.dimension_semantics<core_parallel>, #tpu.dimension_semantics<subcore_parallel>], iteration_bounds = array<i64: 2, 16>, scalar_prefetch = 0 : i64, scratch_operands = 11 : i64, tpu.core_type = #tpu.core_type<sc_vector_subcore>, window_params = [{transform_indices = #map}, {transform_indices = #map}, {transform_indices = #map}, {transform_indices = #map1}, {transform_indices = #map1}]} {
    %mul3A = arith.constant 2 : i32
    %mul3A_0 = arith.muli %arg1, %mul3A : i32
    %add3A = arith.addi %mul3A_0, %arg0 : i32
    %mul3A_1 = arith.constant 512 : i32
    %mul3A_2 = arith.muli %add3A, %mul3A_1 : i32
    "tpu.region"() ({
      %run_scoped3A = tpu.sem_alloc : memref<!tpu.dma_semaphore, #tpu.memory_space<semaphore_mem>>
      tpu.enqueue_dma source(%arg4 : memref<72x16xf32, #tpu.memory_space<hbm>>) target(%arg7 : memref<72x16xf32, #tpu.memory_space<vmem>>) target_semaphore(%run_scoped3A : memref<!tpu.dma_semaphore, #tpu.memory_space<semaphore_mem>>)
      tpu.wait_dma2 semaphore(%run_scoped3A : memref<!tpu.dma_semaphore, #tpu.memory_space<semaphore_mem>>) src(%arg4 : memref<72x16xf32, #tpu.memory_space<hbm>>) dst(%arg7 : memref<72x16xf32, #tpu.memory_space<vmem>>)
      tpu.yield
    }) : () -> ()
    %broadcast_in_dim3A = arith.constant 0.000000e+00 : f32
    %broadcast_in_dim3A_3 = vector.broadcast %broadcast_in_dim3A : f32 to vector<16xf32>
    %swap3A = arith.constant 0 : i32
    %swap3A_4 = arith.index_cast %swap3A : i32 to index
    %swap3A_5 = arith.constant 0 : index
    %swap3A_6 = tpu.vector_load %arg12[%swap3A_4, %swap3A_5] {strides = array<i32>} : memref<64x16xf32, #tpu.memory_space<vmem>>, vector<16xf32>,
    tpu.vector_store %arg12[%swap3A_4, %swap3A_5], %broadcast_in_dim3A_3 {strides = array<i32>} : memref<64x16xf32, #tpu.memory_space<vmem>>, vector<16xf32>,
    %swap3A_7 = arith.constant 0 : i32
    %swap3A_8 = arith.index_cast %swap3A_7 : i32 to index
    %swap3A_9 = arith.constant 0 : index
    %swap3A_10 = tpu.vector_load %arg13[%swap3A_8, %swap3A_9] {strides = array<i32>} : memref<64x16xf32, #tpu.memory_space<vmem>>, vector<16xf32>,
    tpu.vector_store %arg13[%swap3A_8, %swap3A_9], %broadcast_in_dim3A_3 {strides = array<i32>} : memref<64x16xf32, #tpu.memory_space<vmem>>, vector<16xf32>,
    %swap3A_11 = arith.constant 1 : i32
    %swap3A_12 = arith.index_cast %swap3A_11 : i32 to index
    %swap3A_13 = arith.constant 0 : index
    %swap3A_14 = tpu.vector_load %arg12[%swap3A_12, %swap3A_13] {strides = array<i32>} : memref<64x16xf32, #tpu.memory_space<vmem>>, vector<16xf32>,
    tpu.vector_store %arg12[%swap3A_12, %swap3A_13], %broadcast_in_dim3A_3 {strides = array<i32>} : memref<64x16xf32, #tpu.memory_space<vmem>>, vector<16xf32>,
    %swap3A_15 = arith.constant 1 : i32
    %swap3A_16 = arith.index_cast %swap3A_15 : i32 to index
    %swap3A_17 = arith.constant 0 : index
    %swap3A_18 = tpu.vector_load %arg13[%swap3A_16, %swap3A_17] {strides = array<i32>} : memref<64x16xf32, #tpu.memory_space<vmem>>, vector<16xf32>,
    tpu.vector_store %arg13[%swap3A_16, %swap3A_17], %broadcast_in_dim3A_3 {strides = array<i32>} : memref<64x16xf32, #tpu.memory_space<vmem>>, vector<16xf32>,
    %swap3A_19 = arith.constant 2 : i32
    %swap3A_20 = arith.index_cast %swap3A_19 : i32 to index
    %swap3A_21 = arith.constant 0 : index
    %swap3A_22 = tpu.vector_load %arg12[%swap3A_20, %swap3A_21] {strides = array<i32>} : memref<64x16xf32, #tpu.memory_space<vmem>>, vector<16xf32>,
    tpu.vector_store %arg12[%swap3A_20, %swap3A_21], %broadcast_in_dim3A_3 {strides = array<i32>} : memref<64x16xf32, #tpu.memory_space<vmem>>, vector<16xf32>,
    %swap3A_23 = arith.constant 2 : i32
    %swap3A_24 = arith.index_cast %swap3A_23 : i32 to index
    %swap3A_25 = arith.constant 0 : index
    %swap3A_26 = tpu.vector_load %arg13[%swap3A_24, %swap3A_25] {strides = array<i32>} : memref<64x16xf32, #tpu.memory_space<vmem>>, vector<16xf32>,
    tpu.vector_store %arg13[%swap3A_24, %swap3A_25], %broadcast_in_dim3A_3 {strides = array<i32>} : memref<64x16xf32, #tpu.memory_space<vmem>>, vector<16xf32>,
    %swap3A_27 = arith.constant 3 : i32
    %swap3A_28 = arith.index_cast %swap3A_27 : i32 to index
    %swap3A_29 = arith.constant 0 : index
    %swap3A_30 = tpu.vector_load %arg12[%swap3A_28, %swap3A_29] {strides = array<i32>} : memref<64x16xf32, #tpu.memory_space<vmem>>, vector<16xf32>,
    tpu.vector_store %arg12[%swap3A_28, %swap3A_29], %broadcast_in_dim3A_3 {strides = array<i32>} : memref<64x16xf32, #tpu.memory_space<vmem>>, vector<16xf32>,
    %swap3A_31 = arith.constant 3 : i32
    %swap3A_32 = arith.index_cast %swap3A_31 : i32 to index
    %swap3A_33 = arith.constant 0 : index
    %swap3A_34 = tpu.vector_load %arg13[%swap3A_32, %swap3A_33] {strides = array<i32>} : memref<64x16xf32, #tpu.memory_space<vmem>>, vector<16xf32>,
    tpu.vector_store %arg13[%swap3A_32, %swap3A_33], %broadcast_in_dim3A_3 {strides = array<i32>} : memref<64x16xf32, #tpu.memory_space<vmem>>, vector<16xf32>,
    %swap3A_35 = arith.constant 4 : i32
    %swap3A_36 = arith.index_cast %swap3A_35 : i32 to index
    %swap3A_37 = arith.constant 0 : index
    %swap3A_38 = tpu.vector_load %arg12[%swap3A_36, %swap3A_37] {strides = array<i32>} : memref<64x16xf32, #tpu.memory_space<vmem>>, vector<16xf32>,
    tpu.vector_store %arg12[%swap3A_36, %swap3A_37], %broadcast_in_dim3A_3 {strides = array<i32>} : memref<64x16xf32, #tpu.memory_space<vmem>>, vector<16xf32>,
    %swap3A_39 = arith.constant 4 : i32
    %swap3A_40 = arith.index_cast %swap3A_39 : i32 to index
    %swap3A_41 = arith.constant 0 : index
    %swap3A_42 = tpu.vector_load %arg13[%swap3A_40, %swap3A_41] {strides = array<i32>} : memref<64x16xf32, #tpu.memory_space<vmem>>, vector<16xf32>,
    tpu.vector_store %arg13[%swap3A_40, %swap3A_41], %broadcast_in_dim3A_3 {strides = array<i32>} : memref<64x16xf32, #tpu.memory_space<vmem>>, vector<16xf32>,
    %swap3A_43 = arith.constant 5 : i32
    %swap3A_44 = arith.index_cast %swap3A_43 : i32 to index
    %swap3A_45 = arith.constant 0 : index
    %swap3A_46 = tpu.vector_load %arg12[%swap3A_44, %swap3A_45] {strides = array<i32>} : memref<64x16xf32, #tpu.memory_space<vmem>>, vector<16xf32>,
    tpu.vector_store %arg12[%swap3A_44, %swap3A_45], %broadcast_in_dim3A_3 {strides = array<i32>} : memref<64x16xf32, #tpu.memory_space<vmem>>, vector<16xf32>,
    %swap3A_47 = arith.constant 5 : i32
    %swap3A_48 = arith.index_cast %swap3A_47 : i32 to index
    %swap3A_49 = arith.constant 0 : index
    %swap3A_50 = tpu.vector_load %arg13[%swap3A_48, %swap3A_49] {strides = array<i32>} : memref<64x16xf32, #tpu.memory_space<vmem>>, vector<16xf32>,
    tpu.vector_store %arg13[%swap3A_48, %swap3A_49], %broadcast_in_dim3A_3 {strides = array<i32>} : memref<64x16xf32, #tpu.memory_space<vmem>>, vector<16xf32>,
    %swap3A_51 = arith.constant 6 : i32
    %swap3A_52 = arith.index_cast %swap3A_51 : i32 to index
    %swap3A_53 = arith.constant 0 : index
    %swap3A_54 = tpu.vector_load %arg12[%swap3A_52, %swap3A_53] {strides = array<i32>} : memref<64x16xf32, #tpu.memory_space<vmem>>, vector<16xf32>,
    tpu.vector_store %arg12[%swap3A_52, %swap3A_53], %broadcast_in_dim3A_3 {strides = array<i32>} : memref<64x16xf32, #tpu.memory_space<vmem>>, vector<16xf32>,
    %swap3A_55 = arith.constant 6 : i32
    %swap3A_56 = arith.index_cast %swap3A_55 : i32 to index
    %swap3A_57 = arith.constant 0 : index
    %swap3A_58 = tpu.vector_load %arg13[%swap3A_56, %swap3A_57] {strides = array<i32>} : memref<64x16xf32, #tpu.memory_space<vmem>>, vector<16xf32>,
    tpu.vector_store %arg13[%swap3A_56, %swap3A_57], %broadcast_in_dim3A_3 {strides = array<i32>} : memref<64x16xf32, #tpu.memory_space<vmem>>, vector<16xf32>,
    %swap3A_59 = arith.constant 7 : i32
    %swap3A_60 = arith.index_cast %swap3A_59 : i32 to index
    %swap3A_61 = arith.constant 0 : index
    %swap3A_62 = tpu.vector_load %arg12[%swap3A_60, %swap3A_61] {strides = array<i32>} : memref<64x16xf32, #tpu.memory_space<vmem>>, vector<16xf32>,
    tpu.vector_store %arg12[%swap3A_60, %swap3A_61], %broadcast_in_dim3A_3 {strides = array<i32>} : memref<64x16xf32, #tpu.memory_space<vmem>>, vector<16xf32>,
    %swap3A_63 = arith.constant 7 : i32
    %swap3A_64 = arith.index_cast %swap3A_63 : i32 to index
    %swap3A_65 = arith.constant 0 : index
    %swap3A_66 = tpu.vector_load %arg13[%swap3A_64, %swap3A_65] {strides = array<i32>} : memref<64x16xf32, #tpu.memory_space<vmem>>, vector<16xf32>,
    tpu.vector_store %arg13[%swap3A_64, %swap3A_65], %broadcast_in_dim3A_3 {strides = array<i32>} : memref<64x16xf32, #tpu.memory_space<vmem>>, vector<16xf32>,
    %swap3A_67 = arith.constant 8 : i32
    %swap3A_68 = arith.index_cast %swap3A_67 : i32 to index
    %swap3A_69 = arith.constant 0 : index
    %swap3A_70 = tpu.vector_load %arg12[%swap3A_68, %swap3A_69] {strides = array<i32>} : memref<64x16xf32, #tpu.memory_space<vmem>>, vector<16xf32>,
    tpu.vector_store %arg12[%swap3A_68, %swap3A_69], %broadcast_in_dim3A_3 {strides = array<i32>} : memref<64x16xf32, #tpu.memory_space<vmem>>, vector<16xf32>,
    %swap3A_71 = arith.constant 8 : i32
    %swap3A_72 = arith.index_cast %swap3A_71 : i32 to index
    %swap3A_73 = arith.constant 0 : index
    %swap3A_74 = tpu.vector_load %arg13[%swap3A_72, %swap3A_73] {strides = array<i32>} : memref<64x16xf32, #tpu.memory_space<vmem>>, vector<16xf32>,
    tpu.vector_store %arg13[%swap3A_72, %swap3A_73], %broadcast_in_dim3A_3 {strides = array<i32>} : memref<64x16xf32, #tpu.memory_space<vmem>>, vector<16xf32>,
    %swap3A_75 = arith.constant 9 : i32
    %swap3A_76 = arith.index_cast %swap3A_75 : i32 to index
    %swap3A_77 = arith.constant 0 : index
    %swap3A_78 = tpu.vector_load %arg12[%swap3A_76, %swap3A_77] {strides = array<i32>} : memref<64x16xf32, #tpu.memory_space<vmem>>, vector<16xf32>,
    tpu.vector_store %arg12[%swap3A_76, %swap3A_77], %broadcast_in_dim3A_3 {strides = array<i32>} : memref<64x16xf32, #tpu.memory_space<vmem>>, vector<16xf32>,
    %swap3A_79 = arith.constant 9 : i32
    %swap3A_80 = arith.index_cast %swap3A_79 : i32 to index
    %swap3A_81 = arith.constant 0 : index
    %swap3A_82 = tpu.vector_load %arg13[%swap3A_80, %swap3A_81] {strides = array<i32>} : memref<64x16xf32, #tpu.memory_space<vmem>>, vector<16xf32>,
    tpu.vector_store %arg13[%swap3A_80, %swap3A_81], %broadcast_in_dim3A_3 {strides = array<i32>} : memref<64x16xf32, #tpu.memory_space<vmem>>, vector<16xf32>,
    %swap3A_83 = arith.constant 10 : i32
    %swap3A_84 = arith.index_cast %swap3A_83 : i32 to index
    %swap3A_85 = arith.constant 0 : index
    %swap3A_86 = tpu.vector_load %arg12[%swap3A_84, %swap3A_85] {strides = array<i32>} : memref<64x16xf32, #tpu.memory_space<vmem>>, vector<16xf32>,
    tpu.vector_store %arg12[%swap3A_84, %swap3A_85], %broadcast_in_dim3A_3 {strides = array<i32>} : memref<64x16xf32, #tpu.memory_space<vmem>>, vector<16xf32>,
    %swap3A_87 = arith.constant 10 : i32
    %swap3A_88 = arith.index_cast %swap3A_87 : i32 to index
    %swap3A_89 = arith.constant 0 : index
    %swap3A_90 = tpu.vector_load %arg13[%swap3A_88, %swap3A_89] {strides = array<i32>} : memref<64x16xf32, #tpu.memory_space<vmem>>, vector<16xf32>,
    tpu.vector_store %arg13[%swap3A_88, %swap3A_89], %broadcast_in_dim3A_3 {strides = array<i32>} : memref<64x16xf32, #tpu.memory_space<vmem>>, vector<16xf32>,
    %swap3A_91 = arith.constant 11 : i32
    %swap3A_92 = arith.index_cast %swap3A_91 : i32 to index
    %swap3A_93 = arith.constant 0 : index
    %swap3A_94 = tpu.vector_load %arg12[%swap3A_92, %swap3A_93] {strides = array<i32>} : memref<64x16xf32, #tpu.memory_space<vmem>>, vector<16xf32>,
    tpu.vector_store %arg12[%swap3A_92, %swap3A_93], %broadcast_in_dim3A_3 {strides = array<i32>} : memref<64x16xf32, #tpu.memory_space<vmem>>, vector<16xf32>,
    %swap3A_95 = arith.constant 11 : i32
    %swap3A_96 = arith.index_cast %swap3A_95 : i32 to index
    %swap3A_97 = arith.constant 0 : index
    %swap3A_98 = tpu.vector_load %arg13[%swap3A_96, %swap3A_97] {strides = array<i32>} : memref<64x16xf32, #tpu.memory_space<vmem>>, vector<16xf32>,
    tpu.vector_store %arg13[%swap3A_96, %swap3A_97], %broadcast_in_dim3A_3 {strides = array<i32>} : memref<64x16xf32, #tpu.memory_space<vmem>>, vector<16xf32>,
    %swap3A_99 = arith.constant 12 : i32
    %swap3A_100 = arith.index_cast %swap3A_99 : i32 to index
    %swap3A_101 = arith.constant 0 : index
    %swap3A_102 = tpu.vector_load %arg12[%swap3A_100, %swap3A_101] {strides = array<i32>} : memref<64x16xf32, #tpu.memory_space<vmem>>, vector<16xf32>,
    tpu.vector_store %arg12[%swap3A_100, %swap3A_101], %broadcast_in_dim3A_3 {strides = array<i32>} : memref<64x16xf32, #tpu.memory_space<vmem>>, vector<16xf32>,
    %swap3A_103 = arith.constant 12 : i32
    %swap3A_104 = arith.index_cast %swap3A_103 : i32 to index
    %swap3A_105 = arith.constant 0 : index
    %swap3A_106 = tpu.vector_load %arg13[%swap3A_104, %swap3A_105] {strides = array<i32>} : memref<64x16xf32, #tpu.memory_space<vmem>>, vector<16xf32>,
    tpu.vector_store %arg13[%swap3A_104, %swap3A_105], %broadcast_in_dim3A_3 {strides = array<i32>} : memref<64x16xf32, #tpu.memory_space<vmem>>, vector<16xf32>,
    %swap3A_107 = arith.constant 13 : i32
    %swap3A_108 = arith.index_cast %swap3A_107 : i32 to index
    %swap3A_109 = arith.constant 0 : index
    %swap3A_110 = tpu.vector_load %arg12[%swap3A_108, %swap3A_109] {strides = array<i32>} : memref<64x16xf32, #tpu.memory_space<vmem>>, vector<16xf32>,
    tpu.vector_store %arg12[%swap3A_108, %swap3A_109], %broadcast_in_dim3A_3 {strides = array<i32>} : memref<64x16xf32, #tpu.memory_space<vmem>>, vector<16xf32>,
    %swap3A_111 = arith.constant 13 : i32
    %swap3A_112 = arith.index_cast %swap3A_111 : i32 to index
    %swap3A_113 = arith.constant 0 : index
    %swap3A_114 = tpu.vector_load %arg13[%swap3A_112, %swap3A_113] {strides = array<i32>} : memref<64x16xf32, #tpu.memory_space<vmem>>, vector<16xf32>,
    tpu.vector_store %arg13[%swap3A_112, %swap3A_113], %broadcast_in_dim3A_3 {strides = array<i32>} : memref<64x16xf32, #tpu.memory_space<vmem>>, vector<16xf32>,
    %swap3A_115 = arith.constant 14 : i32
    %swap3A_116 = arith.index_cast %swap3A_115 : i32 to index
    %swap3A_117 = arith.constant 0 : index
    %swap3A_118 = tpu.vector_load %arg12[%swap3A_116, %swap3A_117] {strides = array<i32>} : memref<64x16xf32, #tpu.memory_space<vmem>>, vector<16xf32>,
    tpu.vector_store %arg12[%swap3A_116, %swap3A_117], %broadcast_in_dim3A_3 {strides = array<i32>} : memref<64x16xf32, #tpu.memory_space<vmem>>, vector<16xf32>,
    %swap3A_119 = arith.constant 14 : i32
    %swap3A_120 = arith.index_cast %swap3A_119 : i32 to index
    %swap3A_121 = arith.constant 0 : index
    %swap3A_122 = tpu.vector_load %arg13[%swap3A_120, %swap3A_121] {strides = array<i32>} : memref<64x16xf32, #tpu.memory_space<vmem>>, vector<16xf32>,
    tpu.vector_store %arg13[%swap3A_120, %swap3A_121], %broadcast_in_dim3A_3 {strides = array<i32>} : memref<64x16xf32, #tpu.memory_space<vmem>>, vector<16xf32>,
    %swap3A_123 = arith.constant 15 : i32
    %swap3A_124 = arith.index_cast %swap3A_123 : i32 to index
    %swap3A_125 = arith.constant 0 : index
    %swap3A_126 = tpu.vector_load %arg12[%swap3A_124, %swap3A_125] {strides = array<i32>} : memref<64x16xf32, #tpu.memory_space<vmem>>, vector<16xf32>,
    tpu.vector_store %arg12[%swap3A_124, %swap3A_125], %broadcast_in_dim3A_3 {strides = array<i32>} : memref<64x16xf32, #tpu.memory_space<vmem>>, vector<16xf32>,
    %swap3A_127 = arith.constant 15 : i32
    %swap3A_128 = arith.index_cast %swap3A_127 : i32 to index
    %swap3A_129 = arith.constant 0 : index
    %swap3A_130 = tpu.vector_load %arg13[%swap3A_128, %swap3A_129] {strides = array<i32>} : memref<64x16xf32, #tpu.memory_space<vmem>>, vector<16xf32>,
    tpu.vector_store %arg13[%swap3A_128, %swap3A_129], %broadcast_in_dim3A_3 {strides = array<i32>} : memref<64x16xf32, #tpu.memory_space<vmem>>, vector<16xf32>,
    %swap3A_131 = arith.constant 16 : i32
    %swap3A_132 = arith.index_cast %swap3A_131 : i32 to index
    %swap3A_133 = arith.constant 0 : index
    %swap3A_134 = tpu.vector_load %arg12[%swap3A_132, %swap3A_133] {strides = array<i32>} : memref<64x16xf32, #tpu.memory_space<vmem>>, vector<16xf32>,
    tpu.vector_store %arg12[%swap3A_132, %swap3A_133], %broadcast_in_dim3A_3 {strides = array<i32>} : memref<64x16xf32, #tpu.memory_space<vmem>>, vector<16xf32>,
    %swap3A_135 = arith.constant 16 : i32
    %swap3A_136 = arith.index_cast %swap3A_135 : i32 to index
    %swap3A_137 = arith.constant 0 : index
    %swap3A_138 = tpu.vector_load %arg13[%swap3A_136, %swap3A_137] {strides = array<i32>} : memref<64x16xf32, #tpu.memory_space<vmem>>, vector<16xf32>,
    tpu.vector_store %arg13[%swap3A_136, %swap3A_137], %broadcast_in_dim3A_3 {strides = array<i32>} : memref<64x16xf32, #tpu.memory_space<vmem>>, vector<16xf32>,
    %swap3A_139 = arith.constant 17 : i32
    %swap3A_140 = arith.index_cast %swap3A_139 : i32 to index
    %swap3A_141 = arith.constant 0 : index
    %swap3A_142 = tpu.vector_load %arg12[%swap3A_140, %swap3A_141] {strides = array<i32>} : memref<64x16xf32, #tpu.memory_space<vmem>>, vector<16xf32>,
    tpu.vector_store %arg12[%swap3A_140, %swap3A_141], %broadcast_in_dim3A_3 {strides = array<i32>} : memref<64x16xf32, #tpu.memory_space<vmem>>, vector<16xf32>,
    %swap3A_143 = arith.constant 17 : i32
    %swap3A_144 = arith.index_cast %swap3A_143 : i32 to index
    %swap3A_145 = arith.constant 0 : index
    %swap3A_146 = tpu.vector_load %arg13[%swap3A_144, %swap3A_145] {strides = array<i32>} : memref<64x16xf32, #tpu.memory_space<vmem>>, vector<16xf32>,
    tpu.vector_store %arg13[%swap3A_144, %swap3A_145], %broadcast_in_dim3A_3 {strides = array<i32>} : memref<64x16xf32, #tpu.memory_space<vmem>>, vector<16xf32>,
    %swap3A_147 = arith.constant 18 : i32
    %swap3A_148 = arith.index_cast %swap3A_147 : i32 to index
    %swap3A_149 = arith.constant 0 : index
    %swap3A_150 = tpu.vector_load %arg12[%swap3A_148, %swap3A_149] {strides = array<i32>} : memref<64x16xf32, #tpu.memory_space<vmem>>, vector<16xf32>,
    tpu.vector_store %arg12[%swap3A_148, %swap3A_149], %broadcast_in_dim3A_3 {strides = array<i32>} : memref<64x16xf32, #tpu.memory_space<vmem>>, vector<16xf32>,
    %swap3A_151 = arith.constant 18 : i32
    %swap3A_152 = arith.index_cast %swap3A_151 : i32 to index
    %swap3A_153 = arith.constant 0 : index
    %swap3A_154 = tpu.vector_load %arg13[%swap3A_152, %swap3A_153] {strides = array<i32>} : memref<64x16xf32, #tpu.memory_space<vmem>>, vector<16xf32>,
    tpu.vector_store %arg13[%swap3A_152, %swap3A_153], %broadcast_in_dim3A_3 {strides = array<i32>} : memref<64x16xf32, #tpu.memory_space<vmem>>, vector<16xf32>,
    %swap3A_155 = arith.constant 19 : i32
    %swap3A_156 = arith.index_cast %swap3A_155 : i32 to index
    %swap3A_157 = arith.constant 0 : index
    %swap3A_158 = tpu.vector_load %arg12[%swap3A_156, %swap3A_157] {strides = array<i32>} : memref<64x16xf32, #tpu.memory_space<vmem>>, vector<16xf32>,
    tpu.vector_store %arg12[%swap3A_156, %swap3A_157], %broadcast_in_dim3A_3 {strides = array<i32>} : memref<64x16xf32, #tpu.memory_space<vmem>>, vector<16xf32>,
    %swap3A_159 = arith.constant 19 : i32
    %swap3A_160 = arith.index_cast %swap3A_159 : i32 to index
    %swap3A_161 = arith.constant 0 : index
    %swap3A_162 = tpu.vector_load %arg13[%swap3A_160, %swap3A_161] {strides = array<i32>} : memref<64x16xf32, #tpu.memory_space<vmem>>, vector<16xf32>,
    tpu.vector_store %arg13[%swap3A_160, %swap3A_161], %broadcast_in_dim3A_3 {strides = array<i32>} : memref<64x16xf32, #tpu.memory_space<vmem>>, vector<16xf32>,
    %swap3A_163 = arith.constant 20 : i32
    %swap3A_164 = arith.index_cast %swap3A_163 : i32 to index
    %swap3A_165 = arith.constant 0 : index
    %swap3A_166 = tpu.vector_load %arg12[%swap3A_164, %swap3A_165] {strides = array<i32>} : memref<64x16xf32, #tpu.memory_space<vmem>>, vector<16xf32>,
    tpu.vector_store %arg12[%swap3A_164, %swap3A_165], %broadcast_in_dim3A_3 {strides = array<i32>} : memref<64x16xf32, #tpu.memory_space<vmem>>, vector<16xf32>,
    %swap3A_167 = arith.constant 20 : i32
    %swap3A_168 = arith.index_cast %swap3A_167 : i32 to index
    %swap3A_169 = arith.constant 0 : index
    %swap3A_170 = tpu.vector_load %arg13[%swap3A_168, %swap3A_169] {strides = array<i32>} : memref<64x16xf32, #tpu.memory_space<vmem>>, vector<16xf32>,
    tpu.vector_store %arg13[%swap3A_168, %swap3A_169], %broadcast_in_dim3A_3 {strides = array<i32>} : memref<64x16xf32, #tpu.memory_space<vmem>>, vector<16xf32>,
    %swap3A_171 = arith.constant 21 : i32
    %swap3A_172 = arith.index_cast %swap3A_171 : i32 to index
    %swap3A_173 = arith.constant 0 : index
    %swap3A_174 = tpu.vector_load %arg12[%swap3A_172, %swap3A_173] {strides = array<i32>} : memref<64x16xf32, #tpu.memory_space<vmem>>, vector<16xf32>,
    tpu.vector_store %arg12[%swap3A_172, %swap3A_173], %broadcast_in_dim3A_3 {strides = array<i32>} : memref<64x16xf32, #tpu.memory_space<vmem>>, vector<16xf32>,
    %swap3A_175 = arith.constant 21 : i32
    %swap3A_176 = arith.index_cast %swap3A_175 : i32 to index
    %swap3A_177 = arith.constant 0 : index
    %swap3A_178 = tpu.vector_load %arg13[%swap3A_176, %swap3A_177] {strides = array<i32>} : memref<64x16xf32, #tpu.memory_space<vmem>>, vector<16xf32>,
    tpu.vector_store %arg13[%swap3A_176, %swap3A_177], %broadcast_in_dim3A_3 {strides = array<i32>} : memref<64x16xf32, #tpu.memory_space<vmem>>, vector<16xf32>,
    %swap3A_179 = arith.constant 22 : i32
    %swap3A_180 = arith.index_cast %swap3A_179 : i32 to index
    %swap3A_181 = arith.constant 0 : index
    %swap3A_182 = tpu.vector_load %arg12[%swap3A_180, %swap3A_181] {strides = array<i32>} : memref<64x16xf32, #tpu.memory_space<vmem>>, vector<16xf32>,
    tpu.vector_store %arg12[%swap3A_180, %swap3A_181], %broadcast_in_dim3A_3 {strides = array<i32>} : memref<64x16xf32, #tpu.memory_space<vmem>>, vector<16xf32>,
    %swap3A_183 = arith.constant 22 : i32
    %swap3A_184 = arith.index_cast %swap3A_183 : i32 to index
    %swap3A_185 = arith.constant 0 : index
    %swap3A_186 = tpu.vector_load %arg13[%swap3A_184, %swap3A_185] {strides = array<i32>} : memref<64x16xf32, #tpu.memory_space<vmem>>, vector<16xf32>,
    tpu.vector_store %arg13[%swap3A_184, %swap3A_185], %broadcast_in_dim3A_3 {strides = array<i32>} : memref<64x16xf32, #tpu.memory_space<vmem>>, vector<16xf32>,
    %swap3A_187 = arith.constant 23 : i32
    %swap3A_188 = arith.index_cast %swap3A_187 : i32 to index
    %swap3A_189 = arith.constant 0 : index
    %swap3A_190 = tpu.vector_load %arg12[%swap3A_188, %swap3A_189] {strides = array<i32>} : memref<64x16xf32, #tpu.memory_space<vmem>>, vector<16xf32>,
    tpu.vector_store %arg12[%swap3A_188, %swap3A_189], %broadcast_in_dim3A_3 {strides = array<i32>} : memref<64x16xf32, #tpu.memory_space<vmem>>, vector<16xf32>,
    %swap3A_191 = arith.constant 23 : i32
    %swap3A_192 = arith.index_cast %swap3A_191 : i32 to index
    %swap3A_193 = arith.constant 0 : index
    %swap3A_194 = tpu.vector_load %arg13[%swap3A_192, %swap3A_193] {strides = array<i32>} : memref<64x16xf32, #tpu.memory_space<vmem>>, vector<16xf32>,
    tpu.vector_store %arg13[%swap3A_192, %swap3A_193], %broadcast_in_dim3A_3 {strides = array<i32>} : memref<64x16xf32, #tpu.memory_space<vmem>>, vector<16xf32>,
    %swap3A_195 = arith.constant 24 : i32
    %swap3A_196 = arith.index_cast %swap3A_195 : i32 to index
    %swap3A_197 = arith.constant 0 : index
    %swap3A_198 = tpu.vector_load %arg12[%swap3A_196, %swap3A_197] {strides = array<i32>} : memref<64x16xf32, #tpu.memory_space<vmem>>, vector<16xf32>,
    tpu.vector_store %arg12[%swap3A_196, %swap3A_197], %broadcast_in_dim3A_3 {strides = array<i32>} : memref<64x16xf32, #tpu.memory_space<vmem>>, vector<16xf32>,
    %swap3A_199 = arith.constant 24 : i32
    %swap3A_200 = arith.index_cast %swap3A_199 : i32 to index
    %swap3A_201 = arith.constant 0 : index
    %swap3A_202 = tpu.vector_load %arg13[%swap3A_200, %swap3A_201] {strides = array<i32>} : memref<64x16xf32, #tpu.memory_space<vmem>>, vector<16xf32>,
    tpu.vector_store %arg13[%swap3A_200, %swap3A_201], %broadcast_in_dim3A_3 {strides = array<i32>} : memref<64x16xf32, #tpu.memory_space<vmem>>, vector<16xf32>,
    %swap3A_203 = arith.constant 25 : i32
    %swap3A_204 = arith.index_cast %swap3A_203 : i32 to index
    %swap3A_205 = arith.constant 0 : index
    %swap3A_206 = tpu.vector_load %arg12[%swap3A_204, %swap3A_205] {strides = array<i32>} : memref<64x16xf32, #tpu.memory_space<vmem>>, vector<16xf32>,
    tpu.vector_store %arg12[%swap3A_204, %swap3A_205], %broadcast_in_dim3A_3 {strides = array<i32>} : memref<64x16xf32, #tpu.memory_space<vmem>>, vector<16xf32>,
    %swap3A_207 = arith.constant 25 : i32
    %swap3A_208 = arith.index_cast %swap3A_207 : i32 to index
    %swap3A_209 = arith.constant 0 : index
    %swap3A_210 = tpu.vector_load %arg13[%swap3A_208, %swap3A_209] {strides = array<i32>} : memref<64x16xf32, #tpu.memory_space<vmem>>, vector<16xf32>,
    tpu.vector_store %arg13[%swap3A_208, %swap3A_209], %broadcast_in_dim3A_3 {strides = array<i32>} : memref<64x16xf32, #tpu.memory_space<vmem>>, vector<16xf32>,
    %swap3A_211 = arith.constant 26 : i32
    %swap3A_212 = arith.index_cast %swap3A_211 : i32 to index
    %swap3A_213 = arith.constant 0 : index
    %swap3A_214 = tpu.vector_load %arg12[%swap3A_212, %swap3A_213] {strides = array<i32>} : memref<64x16xf32, #tpu.memory_space<vmem>>, vector<16xf32>,
    tpu.vector_store %arg12[%swap3A_212, %swap3A_213], %broadcast_in_dim3A_3 {strides = array<i32>} : memref<64x16xf32, #tpu.memory_space<vmem>>, vector<16xf32>,
    %swap3A_215 = arith.constant 26 : i32
    %swap3A_216 = arith.index_cast %swap3A_215 : i32 to index
    %swap3A_217 = arith.constant 0 : index
    %swap3A_218 = tpu.vector_load %arg13[%swap3A_216, %swap3A_217] {strides = array<i32>} : memref<64x16xf32, #tpu.memory_space<vmem>>, vector<16xf32>,
    tpu.vector_store %arg13[%swap3A_216, %swap3A_217], %broadcast_in_dim3A_3 {strides = array<i32>} : memref<64x16xf32, #tpu.memory_space<vmem>>, vector<16xf32>,
    %swap3A_219 = arith.constant 27 : i32
    %swap3A_220 = arith.index_cast %swap3A_219 : i32 to index
    %swap3A_221 = arith.constant 0 : index
    %swap3A_222 = tpu.vector_load %arg12[%swap3A_220, %swap3A_221] {strides = array<i32>} : memref<64x16xf32, #tpu.memory_space<vmem>>, vector<16xf32>,
    tpu.vector_store %arg12[%swap3A_220, %swap3A_221], %broadcast_in_dim3A_3 {strides = array<i32>} : memref<64x16xf32, #tpu.memory_space<vmem>>, vector<16xf32>,
    %swap3A_223 = arith.constant 27 : i32
    %swap3A_224 = arith.index_cast %swap3A_223 : i32 to index
    %swap3A_225 = arith.constant 0 : index
    %swap3A_226 = tpu.vector_load %arg13[%swap3A_224, %swap3A_225] {strides = array<i32>} : memref<64x16xf32, #tpu.memory_space<vmem>>, vector<16xf32>,
    tpu.vector_store %arg13[%swap3A_224, %swap3A_225], %broadcast_in_dim3A_3 {strides = array<i32>} : memref<64x16xf32, #tpu.memory_space<vmem>>, vector<16xf32>,
    %swap3A_227 = arith.constant 28 : i32
    %swap3A_228 = arith.index_cast %swap3A_227 : i32 to index
    %swap3A_229 = arith.constant 0 : index
    %swap3A_230 = tpu.vector_load %arg12[%swap3A_228, %swap3A_229] {strides = array<i32>} : memref<64x16xf32, #tpu.memory_space<vmem>>, vector<16xf32>,
    tpu.vector_store %arg12[%swap3A_228, %swap3A_229], %broadcast_in_dim3A_3 {strides = array<i32>} : memref<64x16xf32, #tpu.memory_space<vmem>>, vector<16xf32>,
    %swap3A_231 = arith.constant 28 : i32
    %swap3A_232 = arith.index_cast %swap3A_231 : i32 to index
    %swap3A_233 = arith.constant 0 : index
    %swap3A_234 = tpu.vector_load %arg13[%swap3A_232, %swap3A_233] {strides = array<i32>} : memref<64x16xf32, #tpu.memory_space<vmem>>, vector<16xf32>,
    tpu.vector_store %arg13[%swap3A_232, %swap3A_233], %broadcast_in_dim3A_3 {strides = array<i32>} : memref<64x16xf32, #tpu.memory_space<vmem>>, vector<16xf32>,
    %swap3A_235 = arith.constant 29 : i32
    %swap3A_236 = arith.index_cast %swap3A_235 : i32 to index
    %swap3A_237 = arith.constant 0 : index
    %swap3A_238 = tpu.vector_load %arg12[%swap3A_236, %swap3A_237] {strides = array<i32>} : memref<64x16xf32, #tpu.memory_space<vmem>>, vector<16xf32>,
    tpu.vector_store %arg12[%swap3A_236, %swap3A_237], %broadcast_in_dim3A_3 {strides = array<i32>} : memref<64x16xf32, #tpu.memory_space<vmem>>, vector<16xf32>,
    %swap3A_239 = arith.constant 29 : i32
    %swap3A_240 = arith.index_cast %swap3A_239 : i32 to index
    %swap3A_241 = arith.constant 0 : index
    %swap3A_242 = tpu.vector_load %arg13[%swap3A_240, %swap3A_241] {strides = array<i32>} : memref<64x16xf32, #tpu.memory_space<vmem>>, vector<16xf32>,
    tpu.vector_store %arg13[%swap3A_240, %swap3A_241], %broadcast_in_dim3A_3 {strides = array<i32>} : memref<64x16xf32, #tpu.memory_space<vmem>>, vector<16xf32>,
    %swap3A_243 = arith.constant 30 : i32
    %swap3A_244 = arith.index_cast %swap3A_243 : i32 to index
    %swap3A_245 = arith.constant 0 : index
    %swap3A_246 = tpu.vector_load %arg12[%swap3A_244, %swap3A_245] {strides = array<i32>} : memref<64x16xf32, #tpu.memory_space<vmem>>, vector<16xf32>,
    tpu.vector_store %arg12[%swap3A_244, %swap3A_245], %broadcast_in_dim3A_3 {strides = array<i32>} : memref<64x16xf32, #tpu.memory_space<vmem>>, vector<16xf32>,
    %swap3A_247 = arith.constant 30 : i32
    %swap3A_248 = arith.index_cast %swap3A_247 : i32 to index
    %swap3A_249 = arith.constant 0 : index
    %swap3A_250 = tpu.vector_load %arg13[%swap3A_248, %swap3A_249] {strides = array<i32>} : memref<64x16xf32, #tpu.memory_space<vmem>>, vector<16xf32>,
    tpu.vector_store %arg13[%swap3A_248, %swap3A_249], %broadcast_in_dim3A_3 {strides = array<i32>} : memref<64x16xf32, #tpu.memory_space<vmem>>, vector<16xf32>,
    %swap3A_251 = arith.constant 31 : i32
    %swap3A_252 = arith.index_cast %swap3A_251 : i32 to index
    %swap3A_253 = arith.constant 0 : index
    %swap3A_254 = tpu.vector_load %arg12[%swap3A_252, %swap3A_253] {strides = array<i32>} : memref<64x16xf32, #tpu.memory_space<vmem>>, vector<16xf32>,
    tpu.vector_store %arg12[%swap3A_252, %swap3A_253], %broadcast_in_dim3A_3 {strides = array<i32>} : memref<64x16xf32, #tpu.memory_space<vmem>>, vector<16xf32>,
    %swap3A_255 = arith.constant 31 : i32
    %swap3A_256 = arith.index_cast %swap3A_255 : i32 to index
    %swap3A_257 = arith.constant 0 : index
    %swap3A_258 = tpu.vector_load %arg13[%swap3A_256, %swap3A_257] {strides = array<i32>} : memref<64x16xf32, #tpu.memory_space<vmem>>, vector<16xf32>,
    tpu.vector_store %arg13[%swap3A_256, %swap3A_257], %broadcast_in_dim3A_3 {strides = array<i32>} : memref<64x16xf32, #tpu.memory_space<vmem>>, vector<16xf32>,
    %swap3A_259 = arith.constant 32 : i32
    %swap3A_260 = arith.index_cast %swap3A_259 : i32 to index
    %swap3A_261 = arith.constant 0 : index
    %swap3A_262 = tpu.vector_load %arg12[%swap3A_260, %swap3A_261] {strides = array<i32>} : memref<64x16xf32, #tpu.memory_space<vmem>>, vector<16xf32>,
    tpu.vector_store %arg12[%swap3A_260, %swap3A_261], %broadcast_in_dim3A_3 {strides = array<i32>} : memref<64x16xf32, #tpu.memory_space<vmem>>, vector<16xf32>,
    %swap3A_263 = arith.constant 32 : i32
    %swap3A_264 = arith.index_cast %swap3A_263 : i32 to index
    %swap3A_265 = arith.constant 0 : index
    %swap3A_266 = tpu.vector_load %arg13[%swap3A_264, %swap3A_265] {strides = array<i32>} : memref<64x16xf32, #tpu.memory_space<vmem>>, vector<16xf32>,
    tpu.vector_store %arg13[%swap3A_264, %swap3A_265], %broadcast_in_dim3A_3 {strides = array<i32>} : memref<64x16xf32, #tpu.memory_space<vmem>>, vector<16xf32>,
    %swap3A_267 = arith.constant 33 : i32
    %swap3A_268 = arith.index_cast %swap3A_267 : i32 to index
    %swap3A_269 = arith.constant 0 : index
    %swap3A_270 = tpu.vector_load %arg12[%swap3A_268, %swap3A_269] {strides = array<i32>} : memref<64x16xf32, #tpu.memory_space<vmem>>, vector<16xf32>,
    tpu.vector_store %arg12[%swap3A_268, %swap3A_269], %broadcast_in_dim3A_3 {strides = array<i32>} : memref<64x16xf32, #tpu.memory_space<vmem>>, vector<16xf32>,
    %swap3A_271 = arith.constant 33 : i32
    %swap3A_272 = arith.index_cast %swap3A_271 : i32 to index
    %swap3A_273 = arith.constant 0 : index
    %swap3A_274 = tpu.vector_load %arg13[%swap3A_272, %swap3A_273] {strides = array<i32>} : memref<64x16xf32, #tpu.memory_space<vmem>>, vector<16xf32>,
    tpu.vector_store %arg13[%swap3A_272, %swap3A_273], %broadcast_in_dim3A_3 {strides = array<i32>} : memref<64x16xf32, #tpu.memory_space<vmem>>, vector<16xf32>,
    %swap3A_275 = arith.constant 34 : i32
    %swap3A_276 = arith.index_cast %swap3A_275 : i32 to index
    %swap3A_277 = arith.constant 0 : index
    %swap3A_278 = tpu.vector_load %arg12[%swap3A_276, %swap3A_277] {strides = array<i32>} : memref<64x16xf32, #tpu.memory_space<vmem>>, vector<16xf32>,
    tpu.vector_store %arg12[%swap3A_276, %swap3A_277], %broadcast_in_dim3A_3 {strides = array<i32>} : memref<64x16xf32, #tpu.memory_space<vmem>>, vector<16xf32>,
    %swap3A_279 = arith.constant 34 : i32
    %swap3A_280 = arith.index_cast %swap3A_279 : i32 to index
    %swap3A_281 = arith.constant 0 : index
    %swap3A_282 = tpu.vector_load %arg13[%swap3A_280, %swap3A_281] {strides = array<i32>} : memref<64x16xf32, #tpu.memory_space<vmem>>, vector<16xf32>,
    tpu.vector_store %arg13[%swap3A_280, %swap3A_281], %broadcast_in_dim3A_3 {strides = array<i32>} : memref<64x16xf32, #tpu.memory_space<vmem>>, vector<16xf32>,
    %swap3A_283 = arith.constant 35 : i32
    %swap3A_284 = arith.index_cast %swap3A_283 : i32 to index
    %swap3A_285 = arith.constant 0 : index
    %swap3A_286 = tpu.vector_load %arg12[%swap3A_284, %swap3A_285] {strides = array<i32>} : memref<64x16xf32, #tpu.memory_space<vmem>>, vector<16xf32>,
    tpu.vector_store %arg12[%swap3A_284, %swap3A_285], %broadcast_in_dim3A_3 {strides = array<i32>} : memref<64x16xf32, #tpu.memory_space<vmem>>, vector<16xf32>,
    %swap3A_287 = arith.constant 35 : i32
    %swap3A_288 = arith.index_cast %swap3A_287 : i32 to index
    %swap3A_289 = arith.constant 0 : index
    %swap3A_290 = tpu.vector_load %arg13[%swap3A_288, %swap3A_289] {strides = array<i32>} : memref<64x16xf32, #tpu.memory_space<vmem>>, vector<16xf32>,
    tpu.vector_store %arg13[%swap3A_288, %swap3A_289], %broadcast_in_dim3A_3 {strides = array<i32>} : memref<64x16xf32, #tpu.memory_space<vmem>>, vector<16xf32>,
    %swap3A_291 = arith.constant 36 : i32
    %swap3A_292 = arith.index_cast %swap3A_291 : i32 to index
    %swap3A_293 = arith.constant 0 : index
    %swap3A_294 = tpu.vector_load %arg12[%swap3A_292, %swap3A_293] {strides = array<i32>} : memref<64x16xf32, #tpu.memory_space<vmem>>, vector<16xf32>,
    tpu.vector_store %arg12[%swap3A_292, %swap3A_293], %broadcast_in_dim3A_3 {strides = array<i32>} : memref<64x16xf32, #tpu.memory_space<vmem>>, vector<16xf32>,
    %swap3A_295 = arith.constant 36 : i32
    %swap3A_296 = arith.index_cast %swap3A_295 : i32 to index
    %swap3A_297 = arith.constant 0 : index
    %swap3A_298 = tpu.vector_load %arg13[%swap3A_296, %swap3A_297] {strides = array<i32>} : memref<64x16xf32, #tpu.memory_space<vmem>>, vector<16xf32>,
    tpu.vector_store %arg13[%swap3A_296, %swap3A_297], %broadcast_in_dim3A_3 {strides = array<i32>} : memref<64x16xf32, #tpu.memory_space<vmem>>, vector<16xf32>,
    %swap3A_299 = arith.constant 37 : i32
    %swap3A_300 = arith.index_cast %swap3A_299 : i32 to index
    %swap3A_301 = arith.constant 0 : index
    %swap3A_302 = tpu.vector_load %arg12[%swap3A_300, %swap3A_301] {strides = array<i32>} : memref<64x16xf32, #tpu.memory_space<vmem>>, vector<16xf32>,
    tpu.vector_store %arg12[%swap3A_300, %swap3A_301], %broadcast_in_dim3A_3 {strides = array<i32>} : memref<64x16xf32, #tpu.memory_space<vmem>>, vector<16xf32>,
    %swap3A_303 = arith.constant 37 : i32
    %swap3A_304 = arith.index_cast %swap3A_303 : i32 to index
    %swap3A_305 = arith.constant 0 : index
    %swap3A_306 = tpu.vector_load %arg13[%swap3A_304, %swap3A_305] {strides = array<i32>} : memref<64x16xf32, #tpu.memory_space<vmem>>, vector<16xf32>,
    tpu.vector_store %arg13[%swap3A_304, %swap3A_305], %broadcast_in_dim3A_3 {strides = array<i32>} : memref<64x16xf32, #tpu.memory_space<vmem>>, vector<16xf32>,
    %swap3A_307 = arith.constant 38 : i32
    %swap3A_308 = arith.index_cast %swap3A_307 : i32 to index
    %swap3A_309 = arith.constant 0 : index
    %swap3A_310 = tpu.vector_load %arg12[%swap3A_308, %swap3A_309] {strides = array<i32>} : memref<64x16xf32, #tpu.memory_space<vmem>>, vector<16xf32>,
    tpu.vector_store %arg12[%swap3A_308, %swap3A_309], %broadcast_in_dim3A_3 {strides = array<i32>} : memref<64x16xf32, #tpu.memory_space<vmem>>, vector<16xf32>,
    %swap3A_311 = arith.constant 38 : i32
    %swap3A_312 = arith.index_cast %swap3A_311 : i32 to index
    %swap3A_313 = arith.constant 0 : index
    %swap3A_314 = tpu.vector_load %arg13[%swap3A_312, %swap3A_313] {strides = array<i32>} : memref<64x16xf32, #tpu.memory_space<vmem>>, vector<16xf32>,
    tpu.vector_store %arg13[%swap3A_312, %swap3A_313], %broadcast_in_dim3A_3 {strides = array<i32>} : memref<64x16xf32, #tpu.memory_space<vmem>>, vector<16xf32>,
    %swap3A_315 = arith.constant 39 : i32
    %swap3A_316 = arith.index_cast %swap3A_315 : i32 to index
    %swap3A_317 = arith.constant 0 : index
    %swap3A_318 = tpu.vector_load %arg12[%swap3A_316, %swap3A_317] {strides = array<i32>} : memref<64x16xf32, #tpu.memory_space<vmem>>, vector<16xf32>,
    tpu.vector_store %arg12[%swap3A_316, %swap3A_317], %broadcast_in_dim3A_3 {strides = array<i32>} : memref<64x16xf32, #tpu.memory_space<vmem>>, vector<16xf32>,
    %swap3A_319 = arith.constant 39 : i32
    %swap3A_320 = arith.index_cast %swap3A_319 : i32 to index
    %swap3A_321 = arith.constant 0 : index
    %swap3A_322 = tpu.vector_load %arg13[%swap3A_320, %swap3A_321] {strides = array<i32>} : memref<64x16xf32, #tpu.memory_space<vmem>>, vector<16xf32>,
    tpu.vector_store %arg13[%swap3A_320, %swap3A_321], %broadcast_in_dim3A_3 {strides = array<i32>} : memref<64x16xf32, #tpu.memory_space<vmem>>, vector<16xf32>,
    %swap3A_323 = arith.constant 40 : i32
    %swap3A_324 = arith.index_cast %swap3A_323 : i32 to index
    %swap3A_325 = arith.constant 0 : index
    %swap3A_326 = tpu.vector_load %arg12[%swap3A_324, %swap3A_325] {strides = array<i32>} : memref<64x16xf32, #tpu.memory_space<vmem>>, vector<16xf32>,
    tpu.vector_store %arg12[%swap3A_324, %swap3A_325], %broadcast_in_dim3A_3 {strides = array<i32>} : memref<64x16xf32, #tpu.memory_space<vmem>>, vector<16xf32>,
    %swap3A_327 = arith.constant 40 : i32
    %swap3A_328 = arith.index_cast %swap3A_327 : i32 to index
    %swap3A_329 = arith.constant 0 : index
    %swap3A_330 = tpu.vector_load %arg13[%swap3A_328, %swap3A_329] {strides = array<i32>} : memref<64x16xf32, #tpu.memory_space<vmem>>, vector<16xf32>,
    tpu.vector_store %arg13[%swap3A_328, %swap3A_329], %broadcast_in_dim3A_3 {strides = array<i32>} : memref<64x16xf32, #tpu.memory_space<vmem>>, vector<16xf32>,
    %swap3A_331 = arith.constant 41 : i32
    %swap3A_332 = arith.index_cast %swap3A_331 : i32 to index
    %swap3A_333 = arith.constant 0 : index
    %swap3A_334 = tpu.vector_load %arg12[%swap3A_332, %swap3A_333] {strides = array<i32>} : memref<64x16xf32, #tpu.memory_space<vmem>>, vector<16xf32>,
    tpu.vector_store %arg12[%swap3A_332, %swap3A_333], %broadcast_in_dim3A_3 {strides = array<i32>} : memref<64x16xf32, #tpu.memory_space<vmem>>, vector<16xf32>,
    %swap3A_335 = arith.constant 41 : i32
    %swap3A_336 = arith.index_cast %swap3A_335 : i32 to index
    %swap3A_337 = arith.constant 0 : index
    %swap3A_338 = tpu.vector_load %arg13[%swap3A_336, %swap3A_337] {strides = array<i32>} : memref<64x16xf32, #tpu.memory_space<vmem>>, vector<16xf32>,
    tpu.vector_store %arg13[%swap3A_336, %swap3A_337], %broadcast_in_dim3A_3 {strides = array<i32>} : memref<64x16xf32, #tpu.memory_space<vmem>>, vector<16xf32>,
    %swap3A_339 = arith.constant 42 : i32
    %swap3A_340 = arith.index_cast %swap3A_339 : i32 to index
    %swap3A_341 = arith.constant 0 : index
    %swap3A_342 = tpu.vector_load %arg12[%swap3A_340, %swap3A_341] {strides = array<i32>} : memref<64x16xf32, #tpu.memory_space<vmem>>, vector<16xf32>,
    tpu.vector_store %arg12[%swap3A_340, %swap3A_341], %broadcast_in_dim3A_3 {strides = array<i32>} : memref<64x16xf32, #tpu.memory_space<vmem>>, vector<16xf32>,
    %swap3A_343 = arith.constant 42 : i32
    %swap3A_344 = arith.index_cast %swap3A_343 : i32 to index
    %swap3A_345 = arith.constant 0 : index
    %swap3A_346 = tpu.vector_load %arg13[%swap3A_344, %swap3A_345] {strides = array<i32>} : memref<64x16xf32, #tpu.memory_space<vmem>>, vector<16xf32>,
    tpu.vector_store %arg13[%swap3A_344, %swap3A_345], %broadcast_in_dim3A_3 {strides = array<i32>} : memref<64x16xf32, #tpu.memory_space<vmem>>, vector<16xf32>,
    %swap3A_347 = arith.constant 43 : i32
    %swap3A_348 = arith.index_cast %swap3A_347 : i32 to index
    %swap3A_349 = arith.constant 0 : index
    %swap3A_350 = tpu.vector_load %arg12[%swap3A_348, %swap3A_349] {strides = array<i32>} : memref<64x16xf32, #tpu.memory_space<vmem>>, vector<16xf32>,
    tpu.vector_store %arg12[%swap3A_348, %swap3A_349], %broadcast_in_dim3A_3 {strides = array<i32>} : memref<64x16xf32, #tpu.memory_space<vmem>>, vector<16xf32>,
    %swap3A_351 = arith.constant 43 : i32
    %swap3A_352 = arith.index_cast %swap3A_351 : i32 to index
    %swap3A_353 = arith.constant 0 : index
    %swap3A_354 = tpu.vector_load %arg13[%swap3A_352, %swap3A_353] {strides = array<i32>} : memref<64x16xf32, #tpu.memory_space<vmem>>, vector<16xf32>,
    tpu.vector_store %arg13[%swap3A_352, %swap3A_353], %broadcast_in_dim3A_3 {strides = array<i32>} : memref<64x16xf32, #tpu.memory_space<vmem>>, vector<16xf32>,
    %swap3A_355 = arith.constant 44 : i32
    %swap3A_356 = arith.index_cast %swap3A_355 : i32 to index
    %swap3A_357 = arith.constant 0 : index
    %swap3A_358 = tpu.vector_load %arg12[%swap3A_356, %swap3A_357] {strides = array<i32>} : memref<64x16xf32, #tpu.memory_space<vmem>>, vector<16xf32>,
    tpu.vector_store %arg12[%swap3A_356, %swap3A_357], %broadcast_in_dim3A_3 {strides = array<i32>} : memref<64x16xf32, #tpu.memory_space<vmem>>, vector<16xf32>,
    %swap3A_359 = arith.constant 44 : i32
    %swap3A_360 = arith.index_cast %swap3A_359 : i32 to index
    %swap3A_361 = arith.constant 0 : index
    %swap3A_362 = tpu.vector_load %arg13[%swap3A_360, %swap3A_361] {strides = array<i32>} : memref<64x16xf32, #tpu.memory_space<vmem>>, vector<16xf32>,
    tpu.vector_store %arg13[%swap3A_360, %swap3A_361], %broadcast_in_dim3A_3 {strides = array<i32>} : memref<64x16xf32, #tpu.memory_space<vmem>>, vector<16xf32>,
    %swap3A_363 = arith.constant 45 : i32
    %swap3A_364 = arith.index_cast %swap3A_363 : i32 to index
    %swap3A_365 = arith.constant 0 : index
    %swap3A_366 = tpu.vector_load %arg12[%swap3A_364, %swap3A_365] {strides = array<i32>} : memref<64x16xf32, #tpu.memory_space<vmem>>, vector<16xf32>,
    tpu.vector_store %arg12[%swap3A_364, %swap3A_365], %broadcast_in_dim3A_3 {strides = array<i32>} : memref<64x16xf32, #tpu.memory_space<vmem>>, vector<16xf32>,
    %swap3A_367 = arith.constant 45 : i32
    %swap3A_368 = arith.index_cast %swap3A_367 : i32 to index
    %swap3A_369 = arith.constant 0 : index
    %swap3A_370 = tpu.vector_load %arg13[%swap3A_368, %swap3A_369] {strides = array<i32>} : memref<64x16xf32, #tpu.memory_space<vmem>>, vector<16xf32>,
    tpu.vector_store %arg13[%swap3A_368, %swap3A_369], %broadcast_in_dim3A_3 {strides = array<i32>} : memref<64x16xf32, #tpu.memory_space<vmem>>, vector<16xf32>,
    %swap3A_371 = arith.constant 46 : i32
    %swap3A_372 = arith.index_cast %swap3A_371 : i32 to index
    %swap3A_373 = arith.constant 0 : index
    %swap3A_374 = tpu.vector_load %arg12[%swap3A_372, %swap3A_373] {strides = array<i32>} : memref<64x16xf32, #tpu.memory_space<vmem>>, vector<16xf32>,
    tpu.vector_store %arg12[%swap3A_372, %swap3A_373], %broadcast_in_dim3A_3 {strides = array<i32>} : memref<64x16xf32, #tpu.memory_space<vmem>>, vector<16xf32>,
    %swap3A_375 = arith.constant 46 : i32
    %swap3A_376 = arith.index_cast %swap3A_375 : i32 to index
    %swap3A_377 = arith.constant 0 : index
    %swap3A_378 = tpu.vector_load %arg13[%swap3A_376, %swap3A_377] {strides = array<i32>} : memref<64x16xf32, #tpu.memory_space<vmem>>, vector<16xf32>,
    tpu.vector_store %arg13[%swap3A_376, %swap3A_377], %broadcast_in_dim3A_3 {strides = array<i32>} : memref<64x16xf32, #tpu.memory_space<vmem>>, vector<16xf32>,
    %swap3A_379 = arith.constant 47 : i32
    %swap3A_380 = arith.index_cast %swap3A_379 : i32 to index
    %swap3A_381 = arith.constant 0 : index
    %swap3A_382 = tpu.vector_load %arg12[%swap3A_380, %swap3A_381] {strides = array<i32>} : memref<64x16xf32, #tpu.memory_space<vmem>>, vector<16xf32>,
    tpu.vector_store %arg12[%swap3A_380, %swap3A_381], %broadcast_in_dim3A_3 {strides = array<i32>} : memref<64x16xf32, #tpu.memory_space<vmem>>, vector<16xf32>,
    %swap3A_383 = arith.constant 47 : i32
    %swap3A_384 = arith.index_cast %swap3A_383 : i32 to index
    %swap3A_385 = arith.constant 0 : index
    %swap3A_386 = tpu.vector_load %arg13[%swap3A_384, %swap3A_385] {strides = array<i32>} : memref<64x16xf32, #tpu.memory_space<vmem>>, vector<16xf32>,
    tpu.vector_store %arg13[%swap3A_384, %swap3A_385], %broadcast_in_dim3A_3 {strides = array<i32>} : memref<64x16xf32, #tpu.memory_space<vmem>>, vector<16xf32>,
    %swap3A_387 = arith.constant 48 : i32
    %swap3A_388 = arith.index_cast %swap3A_387 : i32 to index
    %swap3A_389 = arith.constant 0 : index
    %swap3A_390 = tpu.vector_load %arg12[%swap3A_388, %swap3A_389] {strides = array<i32>} : memref<64x16xf32, #tpu.memory_space<vmem>>, vector<16xf32>,
    tpu.vector_store %arg12[%swap3A_388, %swap3A_389], %broadcast_in_dim3A_3 {strides = array<i32>} : memref<64x16xf32, #tpu.memory_space<vmem>>, vector<16xf32>,
    %swap3A_391 = arith.constant 48 : i32
    %swap3A_392 = arith.index_cast %swap3A_391 : i32 to index
    %swap3A_393 = arith.constant 0 : index
    %swap3A_394 = tpu.vector_load %arg13[%swap3A_392, %swap3A_393] {strides = array<i32>} : memref<64x16xf32, #tpu.memory_space<vmem>>, vector<16xf32>,
    tpu.vector_store %arg13[%swap3A_392, %swap3A_393], %broadcast_in_dim3A_3 {strides = array<i32>} : memref<64x16xf32, #tpu.memory_space<vmem>>, vector<16xf32>,
    %swap3A_395 = arith.constant 49 : i32
    %swap3A_396 = arith.index_cast %swap3A_395 : i32 to index
    %swap3A_397 = arith.constant 0 : index
    %swap3A_398 = tpu.vector_load %arg12[%swap3A_396, %swap3A_397] {strides = array<i32>} : memref<64x16xf32, #tpu.memory_space<vmem>>, vector<16xf32>,
    tpu.vector_store %arg12[%swap3A_396, %swap3A_397], %broadcast_in_dim3A_3 {strides = array<i32>} : memref<64x16xf32, #tpu.memory_space<vmem>>, vector<16xf32>,
    %swap3A_399 = arith.constant 49 : i32
    %swap3A_400 = arith.index_cast %swap3A_399 : i32 to index
    %swap3A_401 = arith.constant 0 : index
    %swap3A_402 = tpu.vector_load %arg13[%swap3A_400, %swap3A_401] {strides = array<i32>} : memref<64x16xf32, #tpu.memory_space<vmem>>, vector<16xf32>,
    tpu.vector_store %arg13[%swap3A_400, %swap3A_401], %broadcast_in_dim3A_3 {strides = array<i32>} : memref<64x16xf32, #tpu.memory_space<vmem>>, vector<16xf32>,
    %swap3A_403 = arith.constant 50 : i32
    %swap3A_404 = arith.index_cast %swap3A_403 : i32 to index
    %swap3A_405 = arith.constant 0 : index
    %swap3A_406 = tpu.vector_load %arg12[%swap3A_404, %swap3A_405] {strides = array<i32>} : memref<64x16xf32, #tpu.memory_space<vmem>>, vector<16xf32>,
    tpu.vector_store %arg12[%swap3A_404, %swap3A_405], %broadcast_in_dim3A_3 {strides = array<i32>} : memref<64x16xf32, #tpu.memory_space<vmem>>, vector<16xf32>,
    %swap3A_407 = arith.constant 50 : i32
    %swap3A_408 = arith.index_cast %swap3A_407 : i32 to index
    %swap3A_409 = arith.constant 0 : index
    %swap3A_410 = tpu.vector_load %arg13[%swap3A_408, %swap3A_409] {strides = array<i32>} : memref<64x16xf32, #tpu.memory_space<vmem>>, vector<16xf32>,
    tpu.vector_store %arg13[%swap3A_408, %swap3A_409], %broadcast_in_dim3A_3 {strides = array<i32>} : memref<64x16xf32, #tpu.memory_space<vmem>>, vector<16xf32>,
    %swap3A_411 = arith.constant 51 : i32
    %swap3A_412 = arith.index_cast %swap3A_411 : i32 to index
    %swap3A_413 = arith.constant 0 : index
    %swap3A_414 = tpu.vector_load %arg12[%swap3A_412, %swap3A_413] {strides = array<i32>} : memref<64x16xf32, #tpu.memory_space<vmem>>, vector<16xf32>,
    tpu.vector_store %arg12[%swap3A_412, %swap3A_413], %broadcast_in_dim3A_3 {strides = array<i32>} : memref<64x16xf32, #tpu.memory_space<vmem>>, vector<16xf32>,
    %swap3A_415 = arith.constant 51 : i32
    %swap3A_416 = arith.index_cast %swap3A_415 : i32 to index
    %swap3A_417 = arith.constant 0 : index
    %swap3A_418 = tpu.vector_load %arg13[%swap3A_416, %swap3A_417] {strides = array<i32>} : memref<64x16xf32, #tpu.memory_space<vmem>>, vector<16xf32>,
    tpu.vector_store %arg13[%swap3A_416, %swap3A_417], %broadcast_in_dim3A_3 {strides = array<i32>} : memref<64x16xf32, #tpu.memory_space<vmem>>, vector<16xf32>,
    %swap3A_419 = arith.constant 52 : i32
    %swap3A_420 = arith.index_cast %swap3A_419 : i32 to index
    %swap3A_421 = arith.constant 0 : index
    %swap3A_422 = tpu.vector_load %arg12[%swap3A_420, %swap3A_421] {strides = array<i32>} : memref<64x16xf32, #tpu.memory_space<vmem>>, vector<16xf32>,
    tpu.vector_store %arg12[%swap3A_420, %swap3A_421], %broadcast_in_dim3A_3 {strides = array<i32>} : memref<64x16xf32, #tpu.memory_space<vmem>>, vector<16xf32>,
    %swap3A_423 = arith.constant 52 : i32
    %swap3A_424 = arith.index_cast %swap3A_423 : i32 to index
    %swap3A_425 = arith.constant 0 : index
    %swap3A_426 = tpu.vector_load %arg13[%swap3A_424, %swap3A_425] {strides = array<i32>} : memref<64x16xf32, #tpu.memory_space<vmem>>, vector<16xf32>,
    tpu.vector_store %arg13[%swap3A_424, %swap3A_425], %broadcast_in_dim3A_3 {strides = array<i32>} : memref<64x16xf32, #tpu.memory_space<vmem>>, vector<16xf32>,
    %swap3A_427 = arith.constant 53 : i32
    %swap3A_428 = arith.index_cast %swap3A_427 : i32 to index
    %swap3A_429 = arith.constant 0 : index
    %swap3A_430 = tpu.vector_load %arg12[%swap3A_428, %swap3A_429] {strides = array<i32>} : memref<64x16xf32, #tpu.memory_space<vmem>>, vector<16xf32>,
    tpu.vector_store %arg12[%swap3A_428, %swap3A_429], %broadcast_in_dim3A_3 {strides = array<i32>} : memref<64x16xf32, #tpu.memory_space<vmem>>, vector<16xf32>,
    %swap3A_431 = arith.constant 53 : i32
    %swap3A_432 = arith.index_cast %swap3A_431 : i32 to index
    %swap3A_433 = arith.constant 0 : index
    %swap3A_434 = tpu.vector_load %arg13[%swap3A_432, %swap3A_433] {strides = array<i32>} : memref<64x16xf32, #tpu.memory_space<vmem>>, vector<16xf32>,
    tpu.vector_store %arg13[%swap3A_432, %swap3A_433], %broadcast_in_dim3A_3 {strides = array<i32>} : memref<64x16xf32, #tpu.memory_space<vmem>>, vector<16xf32>,
    %swap3A_435 = arith.constant 54 : i32
    %swap3A_436 = arith.index_cast %swap3A_435 : i32 to index
    %swap3A_437 = arith.constant 0 : index
    %swap3A_438 = tpu.vector_load %arg12[%swap3A_436, %swap3A_437] {strides = array<i32>} : memref<64x16xf32, #tpu.memory_space<vmem>>, vector<16xf32>,
    tpu.vector_store %arg12[%swap3A_436, %swap3A_437], %broadcast_in_dim3A_3 {strides = array<i32>} : memref<64x16xf32, #tpu.memory_space<vmem>>, vector<16xf32>,
    %swap3A_439 = arith.constant 54 : i32
    %swap3A_440 = arith.index_cast %swap3A_439 : i32 to index
    %swap3A_441 = arith.constant 0 : index
    %swap3A_442 = tpu.vector_load %arg13[%swap3A_440, %swap3A_441] {strides = array<i32>} : memref<64x16xf32, #tpu.memory_space<vmem>>, vector<16xf32>,
    tpu.vector_store %arg13[%swap3A_440, %swap3A_441], %broadcast_in_dim3A_3 {strides = array<i32>} : memref<64x16xf32, #tpu.memory_space<vmem>>, vector<16xf32>,
    %swap3A_443 = arith.constant 55 : i32
    %swap3A_444 = arith.index_cast %swap3A_443 : i32 to index
    %swap3A_445 = arith.constant 0 : index
    %swap3A_446 = tpu.vector_load %arg12[%swap3A_444, %swap3A_445] {strides = array<i32>} : memref<64x16xf32, #tpu.memory_space<vmem>>, vector<16xf32>,
    tpu.vector_store %arg12[%swap3A_444, %swap3A_445], %broadcast_in_dim3A_3 {strides = array<i32>} : memref<64x16xf32, #tpu.memory_space<vmem>>, vector<16xf32>,
    %swap3A_447 = arith.constant 55 : i32
    %swap3A_448 = arith.index_cast %swap3A_447 : i32 to index
    %swap3A_449 = arith.constant 0 : index
    %swap3A_450 = tpu.vector_load %arg13[%swap3A_448, %swap3A_449] {strides = array<i32>} : memref<64x16xf32, #tpu.memory_space<vmem>>, vector<16xf32>,
    tpu.vector_store %arg13[%swap3A_448, %swap3A_449], %broadcast_in_dim3A_3 {strides = array<i32>} : memref<64x16xf32, #tpu.memory_space<vmem>>, vector<16xf32>,
    %swap3A_451 = arith.constant 56 : i32
    %swap3A_452 = arith.index_cast %swap3A_451 : i32 to index
    %swap3A_453 = arith.constant 0 : index
    %swap3A_454 = tpu.vector_load %arg12[%swap3A_452, %swap3A_453] {strides = array<i32>} : memref<64x16xf32, #tpu.memory_space<vmem>>, vector<16xf32>,
    tpu.vector_store %arg12[%swap3A_452, %swap3A_453], %broadcast_in_dim3A_3 {strides = array<i32>} : memref<64x16xf32, #tpu.memory_space<vmem>>, vector<16xf32>,
    %swap3A_455 = arith.constant 56 : i32
    %swap3A_456 = arith.index_cast %swap3A_455 : i32 to index
    %swap3A_457 = arith.constant 0 : index
    %swap3A_458 = tpu.vector_load %arg13[%swap3A_456, %swap3A_457] {strides = array<i32>} : memref<64x16xf32, #tpu.memory_space<vmem>>, vector<16xf32>,
    tpu.vector_store %arg13[%swap3A_456, %swap3A_457], %broadcast_in_dim3A_3 {strides = array<i32>} : memref<64x16xf32, #tpu.memory_space<vmem>>, vector<16xf32>,
    %swap3A_459 = arith.constant 57 : i32
    %swap3A_460 = arith.index_cast %swap3A_459 : i32 to index
    %swap3A_461 = arith.constant 0 : index
    %swap3A_462 = tpu.vector_load %arg12[%swap3A_460, %swap3A_461] {strides = array<i32>} : memref<64x16xf32, #tpu.memory_space<vmem>>, vector<16xf32>,
    tpu.vector_store %arg12[%swap3A_460, %swap3A_461], %broadcast_in_dim3A_3 {strides = array<i32>} : memref<64x16xf32, #tpu.memory_space<vmem>>, vector<16xf32>,
    %swap3A_463 = arith.constant 57 : i32
    %swap3A_464 = arith.index_cast %swap3A_463 : i32 to index
    %swap3A_465 = arith.constant 0 : index
    %swap3A_466 = tpu.vector_load %arg13[%swap3A_464, %swap3A_465] {strides = array<i32>} : memref<64x16xf32, #tpu.memory_space<vmem>>, vector<16xf32>,
    tpu.vector_store %arg13[%swap3A_464, %swap3A_465], %broadcast_in_dim3A_3 {strides = array<i32>} : memref<64x16xf32, #tpu.memory_space<vmem>>, vector<16xf32>,
    %swap3A_467 = arith.constant 58 : i32
    %swap3A_468 = arith.index_cast %swap3A_467 : i32 to index
    %swap3A_469 = arith.constant 0 : index
    %swap3A_470 = tpu.vector_load %arg12[%swap3A_468, %swap3A_469] {strides = array<i32>} : memref<64x16xf32, #tpu.memory_space<vmem>>, vector<16xf32>,
    tpu.vector_store %arg12[%swap3A_468, %swap3A_469], %broadcast_in_dim3A_3 {strides = array<i32>} : memref<64x16xf32, #tpu.memory_space<vmem>>, vector<16xf32>,
    %swap3A_471 = arith.constant 58 : i32
    %swap3A_472 = arith.index_cast %swap3A_471 : i32 to index
    %swap3A_473 = arith.constant 0 : index
    %swap3A_474 = tpu.vector_load %arg13[%swap3A_472, %swap3A_473] {strides = array<i32>} : memref<64x16xf32, #tpu.memory_space<vmem>>, vector<16xf32>,
    tpu.vector_store %arg13[%swap3A_472, %swap3A_473], %broadcast_in_dim3A_3 {strides = array<i32>} : memref<64x16xf32, #tpu.memory_space<vmem>>, vector<16xf32>,
    %swap3A_475 = arith.constant 59 : i32
    %swap3A_476 = arith.index_cast %swap3A_475 : i32 to index
    %swap3A_477 = arith.constant 0 : index
    %swap3A_478 = tpu.vector_load %arg12[%swap3A_476, %swap3A_477] {strides = array<i32>} : memref<64x16xf32, #tpu.memory_space<vmem>>, vector<16xf32>,
    tpu.vector_store %arg12[%swap3A_476, %swap3A_477], %broadcast_in_dim3A_3 {strides = array<i32>} : memref<64x16xf32, #tpu.memory_space<vmem>>, vector<16xf32>,
    %swap3A_479 = arith.constant 59 : i32
    %swap3A_480 = arith.index_cast %swap3A_479 : i32 to index
    %swap3A_481 = arith.constant 0 : index
    %swap3A_482 = tpu.vector_load %arg13[%swap3A_480, %swap3A_481] {strides = array<i32>} : memref<64x16xf32, #tpu.memory_space<vmem>>, vector<16xf32>,
    tpu.vector_store %arg13[%swap3A_480, %swap3A_481], %broadcast_in_dim3A_3 {strides = array<i32>} : memref<64x16xf32, #tpu.memory_space<vmem>>, vector<16xf32>,
    %swap3A_483 = arith.constant 60 : i32
    %swap3A_484 = arith.index_cast %swap3A_483 : i32 to index
    %swap3A_485 = arith.constant 0 : index
    %swap3A_486 = tpu.vector_load %arg12[%swap3A_484, %swap3A_485] {strides = array<i32>} : memref<64x16xf32, #tpu.memory_space<vmem>>, vector<16xf32>,
    tpu.vector_store %arg12[%swap3A_484, %swap3A_485], %broadcast_in_dim3A_3 {strides = array<i32>} : memref<64x16xf32, #tpu.memory_space<vmem>>, vector<16xf32>,
    %swap3A_487 = arith.constant 60 : i32
    %swap3A_488 = arith.index_cast %swap3A_487 : i32 to index
    %swap3A_489 = arith.constant 0 : index
    %swap3A_490 = tpu.vector_load %arg13[%swap3A_488, %swap3A_489] {strides = array<i32>} : memref<64x16xf32, #tpu.memory_space<vmem>>, vector<16xf32>,
    tpu.vector_store %arg13[%swap3A_488, %swap3A_489], %broadcast_in_dim3A_3 {strides = array<i32>} : memref<64x16xf32, #tpu.memory_space<vmem>>, vector<16xf32>,
    %swap3A_491 = arith.constant 61 : i32
    %swap3A_492 = arith.index_cast %swap3A_491 : i32 to index
    %swap3A_493 = arith.constant 0 : index
    %swap3A_494 = tpu.vector_load %arg12[%swap3A_492, %swap3A_493] {strides = array<i32>} : memref<64x16xf32, #tpu.memory_space<vmem>>, vector<16xf32>,
    tpu.vector_store %arg12[%swap3A_492, %swap3A_493], %broadcast_in_dim3A_3 {strides = array<i32>} : memref<64x16xf32, #tpu.memory_space<vmem>>, vector<16xf32>,
    %swap3A_495 = arith.constant 61 : i32
    %swap3A_496 = arith.index_cast %swap3A_495 : i32 to index
    %swap3A_497 = arith.constant 0 : index
    %swap3A_498 = tpu.vector_load %arg13[%swap3A_496, %swap3A_497] {strides = array<i32>} : memref<64x16xf32, #tpu.memory_space<vmem>>, vector<16xf32>,
    tpu.vector_store %arg13[%swap3A_496, %swap3A_497], %broadcast_in_dim3A_3 {strides = array<i32>} : memref<64x16xf32, #tpu.memory_space<vmem>>, vector<16xf32>,
    %swap3A_499 = arith.constant 62 : i32
    %swap3A_500 = arith.index_cast %swap3A_499 : i32 to index
    %swap3A_501 = arith.constant 0 : index
    %swap3A_502 = tpu.vector_load %arg12[%swap3A_500, %swap3A_501] {strides = array<i32>} : memref<64x16xf32, #tpu.memory_space<vmem>>, vector<16xf32>,
    tpu.vector_store %arg12[%swap3A_500, %swap3A_501], %broadcast_in_dim3A_3 {strides = array<i32>} : memref<64x16xf32, #tpu.memory_space<vmem>>, vector<16xf32>,
    %swap3A_503 = arith.constant 62 : i32
    %swap3A_504 = arith.index_cast %swap3A_503 : i32 to index
    %swap3A_505 = arith.constant 0 : index
    %swap3A_506 = tpu.vector_load %arg13[%swap3A_504, %swap3A_505] {strides = array<i32>} : memref<64x16xf32, #tpu.memory_space<vmem>>, vector<16xf32>,
    tpu.vector_store %arg13[%swap3A_504, %swap3A_505], %broadcast_in_dim3A_3 {strides = array<i32>} : memref<64x16xf32, #tpu.memory_space<vmem>>, vector<16xf32>,
    %swap3A_507 = arith.constant 63 : i32
    %swap3A_508 = arith.index_cast %swap3A_507 : i32 to index
    %swap3A_509 = arith.constant 0 : index
    %swap3A_510 = tpu.vector_load %arg12[%swap3A_508, %swap3A_509] {strides = array<i32>} : memref<64x16xf32, #tpu.memory_space<vmem>>, vector<16xf32>,
    tpu.vector_store %arg12[%swap3A_508, %swap3A_509], %broadcast_in_dim3A_3 {strides = array<i32>} : memref<64x16xf32, #tpu.memory_space<vmem>>, vector<16xf32>,
    %swap3A_511 = arith.constant 63 : i32
    %swap3A_512 = arith.index_cast %swap3A_511 : i32 to index
    %swap3A_513 = arith.constant 0 : index
    %swap3A_514 = tpu.vector_load %arg13[%swap3A_512, %swap3A_513] {strides = array<i32>} : memref<64x16xf32, #tpu.memory_space<vmem>>, vector<16xf32>,
    tpu.vector_store %arg13[%swap3A_512, %swap3A_513], %broadcast_in_dim3A_3 {strides = array<i32>} : memref<64x16xf32, #tpu.memory_space<vmem>>, vector<16xf32>,
    %iota3A = tpu.iota {dimensions = array<i32: 0>} : vector<16xi32>
    %broadcast_in_dim3A_515 = arith.constant 1.000000e+00 : f32
    %broadcast_in_dim3A_516 = vector.broadcast %broadcast_in_dim3A_515 : f32 to vector<16xf32>
    %rem3A = arith.constant 0 : i32
    %rem3A_517 = arith.constant 64 : i32
    %rem3A_518 = arith.remsi %rem3A, %rem3A_517 : i32
    %mul3A_519 = arith.constant 8 : i32
    %mul3A_520 = arith.muli %rem3A_518, %mul3A_519 : i32
    %add3A_521 = arith.addi %mul3A_2, %mul3A_520 : i32
    %dma_start3A = arith.constant 0 : i32
    %dma_start3A_522 = tpu.memref_slice %arg2[%add3A_521, %dma_start3A] : memref<16384x1024xf32, #tpu.memory_space<hbm>> -> memref<8x1024xf32, #tpu.memory_space<hbm>>
    %dma_start3A_523 = arith.constant 0 : i32
    %dma_start3A_524 = tpu.memref_slice %arg2[%add3A_521, %dma_start3A_523] : memref<16384x1024xf32, #tpu.memory_space<hbm>> -> memref<8x1024xf32, #tpu.memory_space<hbm>>
    tpu.enqueue_dma source(%dma_start3A_524 : memref<8x1024xf32, #tpu.memory_space<hbm>>) target(%arg8 : memref<8x1024xf32, #tpu.memory_space<vmem>>) target_semaphore(%arg14 : memref<!tpu.dma_semaphore, #tpu.memory_space<semaphore_mem>>)
    %dma_start3A_525 = arith.constant 0 : i32
    %dma_start3A_526 = tpu.memref_slice %arg3[%add3A_521, %dma_start3A_525] : memref<16384x1024xf32, #tpu.memory_space<hbm>> -> memref<8x1024xf32, #tpu.memory_space<hbm>>
    %dma_start3A_527 = arith.constant 0 : i32
    %dma_start3A_528 = tpu.memref_slice %arg3[%add3A_521, %dma_start3A_527] : memref<16384x1024xf32, #tpu.memory_space<hbm>> -> memref<8x1024xf32, #tpu.memory_space<hbm>>
    tpu.enqueue_dma source(%dma_start3A_528 : memref<8x1024xf32, #tpu.memory_space<hbm>>) target(%arg9 : memref<8x1024xf32, #tpu.memory_space<vmem>>) target_semaphore(%arg15 : memref<!tpu.dma_semaphore, #tpu.memory_space<semaphore_mem>>)
    %scan3A = arith.constant 0 : i32
    %scan3A_529 = arith.constant 0 : i32
    %scan3A_530 = arith.constant 32 : i32
    %scan3A_531 = arith.addi %scan3A_529, %scan3A_530 : i32
    %scan3A_532 = arith.constant 1 : i32
    scf.for %scan3A_547 = %scan3A_529 to %scan3A_531 step %scan3A_532  : i32 {
      %mul3A_548 = arith.constant 2 : i32
      %mul3A_549 = arith.muli %mul3A_548, %scan3A_547 : i32
      %add3A_550 = arith.constant 1 : i32
      %add3A_551 = arith.addi %mul3A_549, %add3A_550 : i32
      %rem3A_552 = arith.constant 64 : i32
      %rem3A_553 = arith.remsi %add3A_551, %rem3A_552 : i32
      %mul3A_554 = arith.constant 8 : i32
      %mul3A_555 = arith.muli %rem3A_553, %mul3A_554 : i32
      %add3A_556 = arith.addi %mul3A_2, %mul3A_555 : i32
      %dma_start3A_557 = arith.constant 0 : i32
      %dma_start3A_558 = tpu.memref_slice %arg2[%add3A_556, %dma_start3A_557] : memref<16384x1024xf32, #tpu.memory_space<hbm>> -> memref<8x1024xf32, #tpu.memory_space<hbm>>
      %dma_start3A_559 = arith.constant 0 : i32
      %dma_start3A_560 = tpu.memref_slice %arg2[%add3A_556, %dma_start3A_559] : memref<16384x1024xf32, #tpu.memory_space<hbm>> -> memref<8x1024xf32, #tpu.memory_space<hbm>>
      tpu.enqueue_dma source(%dma_start3A_560 : memref<8x1024xf32, #tpu.memory_space<hbm>>) target(%arg10 : memref<8x1024xf32, #tpu.memory_space<vmem>>) target_semaphore(%arg16 : memref<!tpu.dma_semaphore, #tpu.memory_space<semaphore_mem>>)
      %dma_start3A_561 = arith.constant 0 : i32
      %dma_start3A_562 = tpu.memref_slice %arg3[%add3A_556, %dma_start3A_561] : memref<16384x1024xf32, #tpu.memory_space<hbm>> -> memref<8x1024xf32, #tpu.memory_space<hbm>>
      %dma_start3A_563 = arith.constant 0 : i32
      %dma_start3A_564 = tpu.memref_slice %arg3[%add3A_556, %dma_start3A_563] : memref<16384x1024xf32, #tpu.memory_space<hbm>> -> memref<8x1024xf32, #tpu.memory_space<hbm>>
      tpu.enqueue_dma source(%dma_start3A_564 : memref<8x1024xf32, #tpu.memory_space<hbm>>) target(%arg11 : memref<8x1024xf32, #tpu.memory_space<vmem>>) target_semaphore(%arg17 : memref<!tpu.dma_semaphore, #tpu.memory_space<semaphore_mem>>)
      %rem3A_565 = arith.constant 64 : i32
      %rem3A_566 = arith.remsi %mul3A_549, %rem3A_565 : i32
      %mul3A_567 = arith.constant 8 : i32
      %mul3A_568 = arith.muli %rem3A_566, %mul3A_567 : i32
      %add3A_569 = arith.addi %mul3A_2, %mul3A_568 : i32
      %dma_wait3A_570 = arith.constant 0 : i32
      %dma_wait3A_571 = tpu.memref_slice %arg2[%add3A_569, %dma_wait3A_570] : memref<16384x1024xf32, #tpu.memory_space<hbm>> -> memref<8x1024xf32, #tpu.memory_space<hbm>>
      %dma_wait3A_572 = arith.constant 0 : i32
      %dma_wait3A_573 = tpu.memref_slice %arg2[%add3A_569, %dma_wait3A_572] : memref<16384x1024xf32, #tpu.memory_space<hbm>> -> memref<8x1024xf32, #tpu.memory_space<hbm>>
      tpu.wait_dma2 semaphore(%arg14 : memref<!tpu.dma_semaphore, #tpu.memory_space<semaphore_mem>>) src(%dma_wait3A_573 : memref<8x1024xf32, #tpu.memory_space<hbm>>) dst(%arg8 : memref<8x1024xf32, #tpu.memory_space<vmem>>)
      %dma_wait3A_574 = arith.constant 0 : i32
      %dma_wait3A_575 = tpu.memref_slice %arg3[%add3A_569, %dma_wait3A_574] : memref<16384x1024xf32, #tpu.memory_space<hbm>> -> memref<8x1024xf32, #tpu.memory_space<hbm>>
      %dma_wait3A_576 = arith.constant 0 : i32
      %dma_wait3A_577 = tpu.memref_slice %arg3[%add3A_569, %dma_wait3A_576] : memref<16384x1024xf32, #tpu.memory_space<hbm>> -> memref<8x1024xf32, #tpu.memory_space<hbm>>
      tpu.wait_dma2 semaphore(%arg15 : memref<!tpu.dma_semaphore, #tpu.memory_space<semaphore_mem>>) src(%dma_wait3A_577 : memref<8x1024xf32, #tpu.memory_space<hbm>>) dst(%arg9 : memref<8x1024xf32, #tpu.memory_space<vmem>>)
      %parallel_loop3A = arith.constant 0 : i32
      %parallel_loop3A_578 = arith.constant 512 : i32
      %parallel_loop3A_579 = arith.constant 1 : i32
      scf.for %parallel_loop3A_613 = %parallel_loop3A to %parallel_loop3A_578 step %parallel_loop3A_579  : i32 {
        %parallel_loop3A_614 = arith.constant 6 : i32
        %parallel_loop3A_615 = arith.shrui %parallel_loop3A_613, %parallel_loop3A_614 : i32
        %parallel_loop3A_616 = arith.constant 63 : i32
        %parallel_loop3A_617 = arith.andi %parallel_loop3A_613, %parallel_loop3A_616 : i32
        %parallel_loop3A_618 = arith.constant 4 : i32
        %parallel_loop3A_619 = arith.shli %parallel_loop3A_617, %parallel_loop3A_618 : i32
        %parallel_loop3A_620 = arith.index_cast %parallel_loop3A_615 : i32 to index
        %parallel_loop3A_621 = arith.index_cast %parallel_loop3A_619 : i32 to index
        %parallel_loop3A_622 = tpu.vector_load %arg8[%parallel_loop3A_620, %parallel_loop3A_621] {strides = array<i32>} : memref<8x1024xf32, #tpu.memory_space<vmem>>, vector<16xf32>,
        %parallel_loop3A_623 = arith.index_cast %parallel_loop3A_615 : i32 to index
        %parallel_loop3A_624 = arith.index_cast %parallel_loop3A_619 : i32 to index
        %parallel_loop3A_625 = tpu.vector_load %arg9[%parallel_loop3A_623, %parallel_loop3A_624] {strides = array<i32>} : memref<8x1024xf32, #tpu.memory_space<vmem>>, vector<16xf32>,
        %parallel_loop3A_626 = arith.subf %parallel_loop3A_622, %parallel_loop3A_625 : vector<16xf32>
        %parallel_loop3A_627 = arith.mulf %parallel_loop3A_626, %parallel_loop3A_626 : vector<16xf32>
        %parallel_loop3A_628 = arith.mulf %parallel_loop3A_627, %parallel_loop3A_627 : vector<16xf32>
        %parallel_loop3A_629 = arith.constant 63.9999352 : f32
        %parallel_loop3A_630 = vector.broadcast %parallel_loop3A_629 : f32 to vector<16xf32>
        %parallel_loop3A_631 = arith.mulf %parallel_loop3A_625, %parallel_loop3A_630 : vector<16xf32>
        %parallel_loop3A_632 = arith.constant 0x4B000000 : f32
        %parallel_loop3A_633 = vector.broadcast %parallel_loop3A_632 : f32 to vector<16xf32>
        %parallel_loop3A_634 = arith.addf %parallel_loop3A_631, %parallel_loop3A_633 : vector<16xf32>
        %parallel_loop3A_635 = vector.bitcast %parallel_loop3A_634 : vector<16xf32> to vector<16xi32>
        %parallel_loop3A_636 = arith.constant 127 : i32
        %parallel_loop3A_637 = vector.broadcast %parallel_loop3A_636 : i32 to vector<16xi32>
        %parallel_loop3A_638 = arith.andi %parallel_loop3A_635, %parallel_loop3A_637 : vector<16xi32>
        %parallel_loop3A_639 = tpu.vector_load_idx %arg7[%parallel_loop3A_638, %iota3A] : memref<72x16xf32, #tpu.memory_space<vmem>>[vector<16xi32>, vector<16xi32>], vector<16xf32>,
        %parallel_loop3A_640 = arith.cmpf oge, %parallel_loop3A_639, %parallel_loop3A_625 : vector<16xf32>
        %parallel_loop3A_641 = arith.constant 1 : i32
        %parallel_loop3A_642 = vector.broadcast %parallel_loop3A_641 : i32 to vector<16xi32>
        %parallel_loop3A_643 = arith.subi %parallel_loop3A_638, %parallel_loop3A_642 : vector<16xi32>
        %parallel_loop3A_644 = arith.select %parallel_loop3A_640, %parallel_loop3A_643, %parallel_loop3A_638 : vector<16xi1>, vector<16xi32>
        tpu.vector_store_idx %arg12[%parallel_loop3A_644, %iota3A], %broadcast_in_dim3A_516 {add = true} : memref<64x16xf32, #tpu.memory_space<vmem>>[vector<16xi32>, vector<16xi32>], vector<16xf32>,
        tpu.vector_store_idx %arg13[%parallel_loop3A_644, %iota3A], %parallel_loop3A_628 {add = true} : memref<64x16xf32, #tpu.memory_space<vmem>>[vector<16xi32>, vector<16xi32>], vector<16xf32>,
      } {sc.loop_unroll_factor = 2 : i64, sc.parallel_access}
      %add3A_580 = arith.constant 2 : i32
      %add3A_581 = arith.addi %mul3A_549, %add3A_580 : i32
      %rem3A_582 = arith.constant 64 : i32
      %rem3A_583 = arith.remsi %add3A_581, %rem3A_582 : i32
      %mul3A_584 = arith.constant 8 : i32
      %mul3A_585 = arith.muli %rem3A_583, %mul3A_584 : i32
      %add3A_586 = arith.addi %mul3A_2, %mul3A_585 : i32
      %dma_start3A_587 = arith.constant 0 : i32
      %dma_start3A_588 = tpu.memref_slice %arg2[%add3A_586, %dma_start3A_587] : memref<16384x1024xf32, #tpu.memory_space<hbm>> -> memref<8x1024xf32, #tpu.memory_space<hbm>>
      %dma_start3A_589 = arith.constant 0 : i32
      %dma_start3A_590 = tpu.memref_slice %arg2[%add3A_586, %dma_start3A_589] : memref<16384x1024xf32, #tpu.memory_space<hbm>> -> memref<8x1024xf32, #tpu.memory_space<hbm>>
      tpu.enqueue_dma source(%dma_start3A_590 : memref<8x1024xf32, #tpu.memory_space<hbm>>) target(%arg8 : memref<8x1024xf32, #tpu.memory_space<vmem>>) target_semaphore(%arg14 : memref<!tpu.dma_semaphore, #tpu.memory_space<semaphore_mem>>)
      %dma_start3A_591 = arith.constant 0 : i32
      %dma_start3A_592 = tpu.memref_slice %arg3[%add3A_586, %dma_start3A_591] : memref<16384x1024xf32, #tpu.memory_space<hbm>> -> memref<8x1024xf32, #tpu.memory_space<hbm>>
      %dma_start3A_593 = arith.constant 0 : i32
      %dma_start3A_594 = tpu.memref_slice %arg3[%add3A_586, %dma_start3A_593] : memref<16384x1024xf32, #tpu.memory_space<hbm>> -> memref<8x1024xf32, #tpu.memory_space<hbm>>
      tpu.enqueue_dma source(%dma_start3A_594 : memref<8x1024xf32, #tpu.memory_space<hbm>>) target(%arg9 : memref<8x1024xf32, #tpu.memory_space<vmem>>) target_semaphore(%arg15 : memref<!tpu.dma_semaphore, #tpu.memory_space<semaphore_mem>>)
      %add3A_595 = arith.constant 1 : i32
      %add3A_596 = arith.addi %mul3A_549, %add3A_595 : i32
      %rem3A_597 = arith.constant 64 : i32
      %rem3A_598 = arith.remsi %add3A_596, %rem3A_597 : i32
      %mul3A_599 = arith.constant 8 : i32
      %mul3A_600 = arith.muli %rem3A_598, %mul3A_599 : i32
      %add3A_601 = arith.addi %mul3A_2, %mul3A_600 : i32
      %dma_wait3A_602 = arith.constant 0 : i32
      %dma_wait3A_603 = tpu.memref_slice %arg2[%add3A_601, %dma_wait3A_602] : memref<16384x1024xf32, #tpu.memory_space<hbm>> -> memref<8x1024xf32, #tpu.memory_space<hbm>>
      %dma_wait3A_604 = arith.constant 0 : i32
      %dma_wait3A_605 = tpu.memref_slice %arg2[%add3A_601, %dma_wait3A_604] : memref<16384x1024xf32, #tpu.memory_space<hbm>> -> memref<8x1024xf32, #tpu.memory_space<hbm>>
      tpu.wait_dma2 semaphore(%arg16 : memref<!tpu.dma_semaphore, #tpu.memory_space<semaphore_mem>>) src(%dma_wait3A_605 : memref<8x1024xf32, #tpu.memory_space<hbm>>) dst(%arg10 : memref<8x1024xf32, #tpu.memory_space<vmem>>)
      %dma_wait3A_606 = arith.constant 0 : i32
      %dma_wait3A_607 = tpu.memref_slice %arg3[%add3A_601, %dma_wait3A_606] : memref<16384x1024xf32, #tpu.memory_space<hbm>> -> memref<8x1024xf32, #tpu.memory_space<hbm>>
      %dma_wait3A_608 = arith.constant 0 : i32
      %dma_wait3A_609 = tpu.memref_slice %arg3[%add3A_601, %dma_wait3A_608] : memref<16384x1024xf32, #tpu.memory_space<hbm>> -> memref<8x1024xf32, #tpu.memory_space<hbm>>
      tpu.wait_dma2 semaphore(%arg17 : memref<!tpu.dma_semaphore, #tpu.memory_space<semaphore_mem>>) src(%dma_wait3A_609 : memref<8x1024xf32, #tpu.memory_space<hbm>>) dst(%arg11 : memref<8x1024xf32, #tpu.memory_space<vmem>>)
      %parallel_loop3A_610 = arith.constant 0 : i32
      %parallel_loop3A_611 = arith.constant 512 : i32
      %parallel_loop3A_612 = arith.constant 1 : i32
      scf.for %parallel_loop3A_613 = %parallel_loop3A_610 to %parallel_loop3A_611 step %parallel_loop3A_612  : i32 {
        %parallel_loop3A_614 = arith.constant 6 : i32
        %parallel_loop3A_615 = arith.shrui %parallel_loop3A_613, %parallel_loop3A_614 : i32
        %parallel_loop3A_616 = arith.constant 63 : i32
        %parallel_loop3A_617 = arith.andi %parallel_loop3A_613, %parallel_loop3A_616 : i32
        %parallel_loop3A_618 = arith.constant 4 : i32
        %parallel_loop3A_619 = arith.shli %parallel_loop3A_617, %parallel_loop3A_618 : i32
        %parallel_loop3A_620 = arith.index_cast %parallel_loop3A_615 : i32 to index
        %parallel_loop3A_621 = arith.index_cast %parallel_loop3A_619 : i32 to index
        %parallel_loop3A_622 = tpu.vector_load %arg10[%parallel_loop3A_620, %parallel_loop3A_621] {strides = array<i32>} : memref<8x1024xf32, #tpu.memory_space<vmem>>, vector<16xf32>,
        %parallel_loop3A_623 = arith.index_cast %parallel_loop3A_615 : i32 to index
        %parallel_loop3A_624 = arith.index_cast %parallel_loop3A_619 : i32 to index
        %parallel_loop3A_625 = tpu.vector_load %arg11[%parallel_loop3A_623, %parallel_loop3A_624] {strides = array<i32>} : memref<8x1024xf32, #tpu.memory_space<vmem>>, vector<16xf32>,
        %parallel_loop3A_626 = arith.subf %parallel_loop3A_622, %parallel_loop3A_625 : vector<16xf32>
        %parallel_loop3A_627 = arith.mulf %parallel_loop3A_626, %parallel_loop3A_626 : vector<16xf32>
        %parallel_loop3A_628 = arith.mulf %parallel_loop3A_627, %parallel_loop3A_627 : vector<16xf32>
        %parallel_loop3A_629 = arith.constant 63.9999352 : f32
        %parallel_loop3A_630 = vector.broadcast %parallel_loop3A_629 : f32 to vector<16xf32>
        %parallel_loop3A_631 = arith.mulf %parallel_loop3A_625, %parallel_loop3A_630 : vector<16xf32>
        %parallel_loop3A_632 = arith.constant 0x4B000000 : f32
        %parallel_loop3A_633 = vector.broadcast %parallel_loop3A_632 : f32 to vector<16xf32>
        %parallel_loop3A_634 = arith.addf %parallel_loop3A_631, %parallel_loop3A_633 : vector<16xf32>
        %parallel_loop3A_635 = vector.bitcast %parallel_loop3A_634 : vector<16xf32> to vector<16xi32>
        %parallel_loop3A_636 = arith.constant 127 : i32
        %parallel_loop3A_637 = vector.broadcast %parallel_loop3A_636 : i32 to vector<16xi32>
        %parallel_loop3A_638 = arith.andi %parallel_loop3A_635, %parallel_loop3A_637 : vector<16xi32>
        %parallel_loop3A_639 = tpu.vector_load_idx %arg7[%parallel_loop3A_638, %iota3A] : memref<72x16xf32, #tpu.memory_space<vmem>>[vector<16xi32>, vector<16xi32>], vector<16xf32>,
        %parallel_loop3A_640 = arith.cmpf oge, %parallel_loop3A_639, %parallel_loop3A_625 : vector<16xf32>
        %parallel_loop3A_641 = arith.constant 1 : i32
        %parallel_loop3A_642 = vector.broadcast %parallel_loop3A_641 : i32 to vector<16xi32>
        %parallel_loop3A_643 = arith.subi %parallel_loop3A_638, %parallel_loop3A_642 : vector<16xi32>
        %parallel_loop3A_644 = arith.select %parallel_loop3A_640, %parallel_loop3A_643, %parallel_loop3A_638 : vector<16xi1>, vector<16xi32>
        tpu.vector_store_idx %arg12[%parallel_loop3A_644, %iota3A], %broadcast_in_dim3A_516 {add = true} : memref<64x16xf32, #tpu.memory_space<vmem>>[vector<16xi32>, vector<16xi32>], vector<16xf32>,
        tpu.vector_store_idx %arg13[%parallel_loop3A_644, %iota3A], %parallel_loop3A_628 {add = true} : memref<64x16xf32, #tpu.memory_space<vmem>>[vector<16xi32>, vector<16xi32>], vector<16xf32>,
      } {sc.loop_unroll_factor = 2 : i64, sc.parallel_access}
    }
    %scan3A_533 = arith.constant 32 : i32
    %rem3A_534 = arith.constant 0 : i32
    %rem3A_535 = arith.constant 64 : i32
    %rem3A_536 = arith.remsi %rem3A_534, %rem3A_535 : i32
    %mul3A_537 = arith.constant 8 : i32
    %mul3A_538 = arith.muli %rem3A_536, %mul3A_537 : i32
    %add3A_539 = arith.addi %mul3A_2, %mul3A_538 : i32
    %dma_wait3A = arith.constant 0 : i32
    %dma_wait3A_540 = tpu.memref_slice %arg2[%add3A_539, %dma_wait3A] : memref<16384x1024xf32, #tpu.memory_space<hbm>> -> memref<8x1024xf32, #tpu.memory_space<hbm>>
    %dma_wait3A_541 = arith.constant 0 : i32
    %dma_wait3A_542 = tpu.memref_slice %arg2[%add3A_539, %dma_wait3A_541] : memref<16384x1024xf32, #tpu.memory_space<hbm>> -> memref<8x1024xf32, #tpu.memory_space<hbm>>
    tpu.wait_dma2 semaphore(%arg14 : memref<!tpu.dma_semaphore, #tpu.memory_space<semaphore_mem>>) src(%dma_wait3A_542 : memref<8x1024xf32, #tpu.memory_space<hbm>>) dst(%arg8 : memref<8x1024xf32, #tpu.memory_space<vmem>>)
    %dma_wait3A_543 = arith.constant 0 : i32
    %dma_wait3A_544 = tpu.memref_slice %arg3[%add3A_539, %dma_wait3A_543] : memref<16384x1024xf32, #tpu.memory_space<hbm>> -> memref<8x1024xf32, #tpu.memory_space<hbm>>
    %dma_wait3A_545 = arith.constant 0 : i32
    %dma_wait3A_546 = tpu.memref_slice %arg3[%add3A_539, %dma_wait3A_545] : memref<16384x1024xf32, #tpu.memory_space<hbm>> -> memref<8x1024xf32, #tpu.memory_space<hbm>>
    tpu.wait_dma2 semaphore(%arg15 : memref<!tpu.dma_semaphore, #tpu.memory_space<semaphore_mem>>) src(%dma_wait3A_546 : memref<8x1024xf32, #tpu.memory_space<hbm>>) dst(%arg9 : memref<8x1024xf32, #tpu.memory_space<vmem>>)
    "tpu.region"() ({
      %run_scoped3A = tpu.sem_alloc : memref<!tpu.dma_semaphore, #tpu.memory_space<semaphore_mem>>
      %dma_start3A_547 = arith.constant 0 : i32
      %dma_start3A_548 = arith.constant 0 : i32
      %dma_start3A_549 = tpu.memref_slice %arg5[%add3A, %dma_start3A_547, %dma_start3A_548] : memref<32x64x16xf32, #tpu.memory_space<hbm>> -> memref<1x64x16xf32, #tpu.memory_space<hbm>>
      %dma_start3A_550 = tpu.memref_squeeze %dma_start3A_549 : memref<1x64x16xf32, #tpu.memory_space<hbm>> -> memref<64x16xf32, #tpu.memory_space<hbm>>
      %dma_start3A_551 = arith.constant 0 : i32
      %dma_start3A_552 = arith.constant 0 : i32
      %dma_start3A_553 = tpu.memref_slice %arg5[%add3A, %dma_start3A_551, %dma_start3A_552] : memref<32x64x16xf32, #tpu.memory_space<hbm>> -> memref<1x64x16xf32, #tpu.memory_space<hbm>>
      %dma_start3A_554 = tpu.memref_squeeze %dma_start3A_553 : memref<1x64x16xf32, #tpu.memory_space<hbm>> -> memref<64x16xf32, #tpu.memory_space<hbm>>
      tpu.enqueue_dma source(%arg12 : memref<64x16xf32, #tpu.memory_space<vmem>>) target(%dma_start3A_554 : memref<64x16xf32, #tpu.memory_space<hbm>>) target_semaphore(%run_scoped3A : memref<!tpu.dma_semaphore, #tpu.memory_space<semaphore_mem>>)
      %dma_wait3A_555 = arith.constant 0 : i32
      %dma_wait3A_556 = arith.constant 0 : i32
      %dma_wait3A_557 = tpu.memref_slice %arg5[%add3A, %dma_wait3A_555, %dma_wait3A_556] : memref<32x64x16xf32, #tpu.memory_space<hbm>> -> memref<1x64x16xf32, #tpu.memory_space<hbm>>
      %dma_wait3A_558 = tpu.memref_squeeze %dma_wait3A_557 : memref<1x64x16xf32, #tpu.memory_space<hbm>> -> memref<64x16xf32, #tpu.memory_space<hbm>>
      %dma_wait3A_559 = arith.constant 0 : i32
      %dma_wait3A_560 = arith.constant 0 : i32
      %dma_wait3A_561 = tpu.memref_slice %arg5[%add3A, %dma_wait3A_559, %dma_wait3A_560] : memref<32x64x16xf32, #tpu.memory_space<hbm>> -> memref<1x64x16xf32, #tpu.memory_space<hbm>>
      %dma_wait3A_562 = tpu.memref_squeeze %dma_wait3A_561 : memref<1x64x16xf32, #tpu.memory_space<hbm>> -> memref<64x16xf32, #tpu.memory_space<hbm>>
      tpu.wait_dma2 semaphore(%run_scoped3A : memref<!tpu.dma_semaphore, #tpu.memory_space<semaphore_mem>>) src(%arg12 : memref<64x16xf32, #tpu.memory_space<vmem>>) dst(%dma_wait3A_562 : memref<64x16xf32, #tpu.memory_space<hbm>>)
      tpu.yield
    }) : () -> ()
    "tpu.region"() ({
      %run_scoped3A = tpu.sem_alloc : memref<!tpu.dma_semaphore, #tpu.memory_space<semaphore_mem>>
      %dma_start3A_547 = arith.constant 0 : i32
      %dma_start3A_548 = arith.constant 0 : i32
      %dma_start3A_549 = tpu.memref_slice %arg6[%add3A, %dma_start3A_547, %dma_start3A_548] : memref<32x64x16xf32, #tpu.memory_space<hbm>> -> memref<1x64x16xf32, #tpu.memory_space<hbm>>
      %dma_start3A_550 = tpu.memref_squeeze %dma_start3A_549 : memref<1x64x16xf32, #tpu.memory_space<hbm>> -> memref<64x16xf32, #tpu.memory_space<hbm>>
      %dma_start3A_551 = arith.constant 0 : i32
      %dma_start3A_552 = arith.constant 0 : i32
      %dma_start3A_553 = tpu.memref_slice %arg6[%add3A, %dma_start3A_551, %dma_start3A_552] : memref<32x64x16xf32, #tpu.memory_space<hbm>> -> memref<1x64x16xf32, #tpu.memory_space<hbm>>
      %dma_start3A_554 = tpu.memref_squeeze %dma_start3A_553 : memref<1x64x16xf32, #tpu.memory_space<hbm>> -> memref<64x16xf32, #tpu.memory_space<hbm>>
      tpu.enqueue_dma source(%arg13 : memref<64x16xf32, #tpu.memory_space<vmem>>) target(%dma_start3A_554 : memref<64x16xf32, #tpu.memory_space<hbm>>) target_semaphore(%run_scoped3A : memref<!tpu.dma_semaphore, #tpu.memory_space<semaphore_mem>>)
      %dma_wait3A_555 = arith.constant 0 : i32
      %dma_wait3A_556 = arith.constant 0 : i32
      %dma_wait3A_557 = tpu.memref_slice %arg6[%add3A, %dma_wait3A_555, %dma_wait3A_556] : memref<32x64x16xf32, #tpu.memory_space<hbm>> -> memref<1x64x16xf32, #tpu.memory_space<hbm>>
      %dma_wait3A_558 = tpu.memref_squeeze %dma_wait3A_557 : memref<1x64x16xf32, #tpu.memory_space<hbm>> -> memref<64x16xf32, #tpu.memory_space<hbm>>
      %dma_wait3A_559 = arith.constant 0 : i32
      %dma_wait3A_560 = arith.constant 0 : i32
      %dma_wait3A_561 = tpu.memref_slice %arg6[%add3A, %dma_wait3A_559, %dma_wait3A_560] : memref<32x64x16xf32, #tpu.memory_space<hbm>> -> memref<1x64x16xf32, #tpu.memory_space<hbm>>
      %dma_wait3A_562 = tpu.memref_squeeze %dma_wait3A_561 : memref<1x64x16xf32, #tpu.memory_space<hbm>> -> memref<64x16xf32, #tpu.memory_space<hbm>>
      tpu.wait_dma2 semaphore(%run_scoped3A : memref<!tpu.dma_semaphore, #tpu.memory_space<semaphore_mem>>) src(%arg13 : memref<64x16xf32, #tpu.memory_space<vmem>>) dst(%dma_wait3A_562 : memref<64x16xf32, #tpu.memory_space<hbm>>)
      tpu.yield
    }) : () -> ()
    return
  }
}

module attributes {stable_mosaic.version = 14 : i64} {
  func.func @_combine_body(%arg0: memref<32x64x16xf32, #tpu.memory_space<vmem>>, %arg1: memref<32x64x16xf32, #tpu.memory_space<vmem>>, %arg2: memref<1x1xf32, #tpu.memory_space<vmem>>) attributes {dimension_semantics = [], scalar_prefetch = 0 : i64, scratch_operands = 0 : i64, tpu.core_type = #tpu.core_type<tc>} {
    %get3A = arith.constant 0 : index
    %get3A_0 = arith.constant 0 : index
    %get3A_1 = arith.constant 0 : index
    %get3A_2 = vector.load %arg0[%get3A, %get3A_0, %get3A_1] : memref<32x64x16xf32, #tpu.memory_space<vmem>>, vector<32x64x16xf32>
    %reduce_sum3A = arith.constant dense<0.000000e+00> : vector<32x64xf32>
    %reduce_sum3A_3 = vector.multi_reduction <add>, %get3A_2, %reduce_sum3A [2] : vector<32x64x16xf32> to vector<32x64xf32>
    %get3A_4 = arith.constant 0 : index
    %get3A_5 = arith.constant 0 : index
    %get3A_6 = arith.constant 0 : index
    %get3A_7 = vector.load %arg1[%get3A_4, %get3A_5, %get3A_6] : memref<32x64x16xf32, #tpu.memory_space<vmem>>, vector<32x64x16xf32>
    %reduce_sum3A_8 = arith.constant dense<0.000000e+00> : vector<32x64xf32>
    %reduce_sum3A_9 = vector.multi_reduction <add>, %get3A_7, %reduce_sum3A_8 [2] : vector<32x64x16xf32> to vector<32x64xf32>
    %reduce_sum3A_10 = arith.constant dense<0.000000e+00> : vector<64xf32>
    %reduce_sum3A_11 = vector.multi_reduction <add>, %reduce_sum3A_3, %reduce_sum3A_10 [0] : vector<32x64xf32> to vector<64xf32>
    %broadcast_in_dim3A = vector.shape_cast %reduce_sum3A_11 : vector<64xf32> to vector<1x64xf32>
    %reduce_sum3A_12 = arith.constant dense<0.000000e+00> : vector<64xf32>
    %reduce_sum3A_13 = vector.multi_reduction <add>, %reduce_sum3A_9, %reduce_sum3A_12 [0] : vector<32x64xf32> to vector<64xf32>
    %broadcast_in_dim3A_14 = vector.shape_cast %reduce_sum3A_13 : vector<64xf32> to vector<1x64xf32>
    %gt3A = arith.constant 0.000000e+00 : f32
    %gt3A_15 = vector.broadcast %gt3A : f32 to vector<1x64xf32>
    %gt3A_16 = arith.cmpf ogt, %broadcast_in_dim3A, %gt3A_15 : vector<1x64xf32>
    %add3A = arith.constant 9.99999997E-7 : f32
    %add3A_17 = vector.broadcast %add3A : f32 to vector<1x64xf32>
    %add3A_18 = arith.addf %broadcast_in_dim3A, %add3A_17 : vector<1x64xf32>
    %div3A = arith.constant 1.000000e+00 : f32
    %div3A_19 = vector.broadcast %div3A : f32 to vector<1x64xf32>
    %div3A_20 = arith.divf %div3A_19, %add3A_18 : vector<1x64xf32>
    %jit3A = arith.constant 0.000000e+00 : f32
    %broadcast_in_dim3A_21 = vector.broadcast %jit3A : f32 to vector<1x64xf32>
    %select_n3A = arith.select %gt3A_16, %div3A_20, %broadcast_in_dim3A_21 : vector<1x64xi1>, vector<1x64xf32>
    %mul3A = arith.mulf %broadcast_in_dim3A_14, %select_n3A : vector<1x64xf32>
    %reduce_sum3A_22 = vector.shape_cast %mul3A : vector<1x64xf32> to vector<1x1x64xf32>
    %reduce_sum3A_23 = arith.constant dense<0.000000e+00> : vector<1xf32>
    %reduce_sum3A_24 = vector.multi_reduction <add>, %reduce_sum3A_22, %reduce_sum3A_23 [1, 2] : vector<1x1x64xf32> to vector<1xf32>
    %reduce_sum3A_25 = vector.shape_cast %reduce_sum3A_24 : vector<1xf32> to vector<1x1x1xf32>
    %reduce_sum3A_26 = vector.extract %reduce_sum3A_25[0, 0, 0] : f32 from vector<1x1x1xf32>
    %jit3A_27 = arith.constant 1.000000e+00 : f32
    %jit3A_28 = arith.constant 0.000000e+00 : f32
    %broadcast_in_dim3A_29 = vector.broadcast %jit3A_27 : f32 to vector<1x64xf32>
    %broadcast_in_dim3A_30 = vector.broadcast %jit3A_28 : f32 to vector<1x64xf32>
    %select_n3A_31 = arith.select %gt3A_16, %broadcast_in_dim3A_29, %broadcast_in_dim3A_30 : vector<1x64xi1>, vector<1x64xf32>
    %reduce_sum3A_32 = vector.shape_cast %select_n3A_31 : vector<1x64xf32> to vector<1x1x64xf32>
    %reduce_sum3A_33 = arith.constant dense<0.000000e+00> : vector<1xf32>
    %reduce_sum3A_34 = vector.multi_reduction <add>, %reduce_sum3A_32, %reduce_sum3A_33 [1, 2] : vector<1x1x64xf32> to vector<1xf32>
    %reduce_sum3A_35 = vector.shape_cast %reduce_sum3A_34 : vector<1xf32> to vector<1x1x1xf32>
    %reduce_sum3A_36 = vector.extract %reduce_sum3A_35[0, 0, 0] : f32 from vector<1x1x1xf32>
    %eq3A = arith.constant 0.000000e+00 : f32
    %eq3A_37 = arith.cmpf oeq, %reduce_sum3A_36, %eq3A : f32
    %div3A_38 = arith.divf %reduce_sum3A_26, %reduce_sum3A_36 : f32
    %jit3A_39 = arith.constant 0.000000e+00 : f32
    %select_n3A_40 = arith.select %eq3A_37, %jit3A_39, %div3A_38 : f32
    %broadcast_in_dim3A_41 = vector.broadcast %select_n3A_40 : f32 to vector<1x1xf32>
    %swap3A = arith.constant 0 : index
    %swap3A_42 = arith.constant 0 : index
    %swap3A_43 = vector.load %arg2[%swap3A, %swap3A_42] : memref<1x1xf32, #tpu.memory_space<vmem>>, vector<1x1xf32>
    tpu.vector_store %arg2[%swap3A, %swap3A_42], %broadcast_in_dim3A_41 {strides = array<i32>} : memref<1x1xf32, #tpu.memory_space<vmem>>, vector<1x1xf32>,
    return
  }
}

</mosaic_0001>

<sc_bundles>
// kernel: kernel.4.cloned.1.call-start
scs
__scs_entry_jumppad:
0x0: {  	(pc) =	sbr.rel $0x88, $3  }
0x1: {  	(tag) =	ssettag $0x0;
	lr =	simm.s32 $0x1  }
0x2: {  	[smem:$0x3F9F] =	sst lr;
	_ =	strace $0xD0000000  }
0x3: {  	_ = 	snop  }
0x4: {  	_ = 	snop  }
0x5: {  	_ = 	snop  }
0x6: {  	_ = 	snop  }
0x7: {  	_ = 	snop  }
__scs_overlays_trampoline_lowered:
0x8: {  	[smem:$0x3FAE] =	sst s0  }
0x9: {  	[smem:$0x3FAF] =	sst s1  }
0xa: {  	[smem:$0x3FB0] =	sst s2  }
0xb: {  	[smem:$0x3FB1] =	sst s3  }
0xc: {  	[smem:$0x3FB2] =	sst s4  }
0xd: {  	[smem:$0x3FB3] =	sst s5  }
0xe: {  	[smem:$0x3FB4] =	sst s6  }
0xf: {  	[smem:$0x3FB5] =	sst s7  }
0x10: {  	[smem:$0x3FB6] =	sst s8  }
0x11: {  	[smem:$0x3FB7] =	sst s9;
	s0 =	simm.s32 @!p0 $0x0  }
0x12: {  	s1 =	sld [smem:$0x3F9D];
	s0 =	simm.s32 @p0 $0x1  }
0x13: {  	[smem:$0x3FB8] =	sst s0;
	s0 =	simm.s32 @!p1 $0x0  }
0x14: {  	s2 =	sld [smem:$0x3F9C];
	s0 =	simm.s32 @p1 $0x1  }
0x15: {  	[smem:$0x3FB9] =	sst s0;
	s0 =	simm.s32 @!p2 $0x0  }
0x16: {  	s3 =	sld [smem:$0x3FDB];
	s0 =	simm.s32 @p2 $0x1  }
0x17: {  	s4 =	simm.s32 $0x1BF5;
	[smem:$0x3FBB] =	sst s0  }
0x18: {  	s0 =	sld [smem:$0x3F9E];
	_ =	swait.ge [sflag:s4], $0x0  }
0x19: {  	s7 =	sld [smem:$0x3F9F]  }
0x1a: {  	s8 =	sadd.s32 $0xFFFFE003, lr  }
0x1b: {  	s9 =	sadd.s32 $0xFFFFFEF7, lr;
	s5 =	simm.s32 $0xFFFFFFFF;
	p2 =	slt.u32 s8, $0xFFFFF086  }
0x1c: {  	p1 =	slt.u32 s9, $0xF7A;
	s5 =	simm.s32 @!p2 $0x0  }
0x1d: {  	s5 =	simm.s32 @p1 $0x1;
	p0 =	seq.s32 s7, s2  }
0x1e: {  	s7 =	smul.u32 @!p0 $0xF7A, s2;
	p2 =	seq.s32 @!p0 s5, $0x0  }
0x1f: {  	s9 =	smul.u32 $0xF7A, s1;
	s8 =	simm.s32 @!p0 $0x1BF5;
	p2 =	por !p2, p0  }
0x20: {  	[sflag:s8] =	ssyncset.s32 @!p0 $0xFFFFF086;
	s6 =	sadd.s32 @!p0 s3, s7;
	s7 =	simm.s32 @!p0 $0x108  }
0x21: {  	s3 =	sadd.s32 s3, s9;
	s6 =	sadd.s32 @!p0 $0x88, s6;
	s7 =	simm.s32 @p2 $0x1082  }
0x22: {  	[simem:s7], [sflag:s8] =	dma.local @!p0 [hbm:s6], $0xF7A  }
0x23: {  	s9 =	sor.u32 $0xD0000000, s2;
	s6 =	simm.s32 $0x108;
	_ =	swait.ge @!p0 [sflag:s8], $0x0  }
0x24: {  	s3 =	sadd.s32 $0x88, s3;
	s6 =	simm.s32 @!p1 $0x1082;
	[sflag:s4] =	ssyncset.s32 $0xFFFFF086  }
0x25: {  	[simem:s6], [sflag:s4] =	dma.local [hbm:s3], $0xF7A  }
0x26: {  	[smem:$0x3F9F] =	sst s1;
	(tag) =	ssettag s2;
	_ =	strace s9  }
0x27: {  	s1 =	sld [smem:$0x3FAF]  }
0x28: {  	s2 =	sld [smem:$0x3FB0]  }
0x29: {  	s4 =	sld [smem:$0x3FB2]  }
0x2a: {  	p0 =	seq.s32 s5, $0x0;
	s5 =	sld [smem:$0x3FB3]  }
0x2b: {  	s6 =	sld [smem:$0x3FB4]  }
0x2c: {  	s7 =	sld [smem:$0x3FB5]  }
0x2d: {  	s3 =	simm.s32 $0x108;
	s8 =	sld [smem:$0x3FB6]  }
0x2e: {  	s3 =	simm.s32 @!p0 $0x1082;
	s9 =	sld [smem:$0x3FB7]  }
0x2f: {  	lr =	sadd.s32 s0, s3;
	s0 =	sld [smem:$0x3FAE]  }
0x30: {  	s3 =	sld [smem:$0x3FB1]  }
0x31: {  	[smem:$0x3FBA] =	sst s10  }
0x32: {  	s10 =	sld [smem:$0x3FB8];
	_ =	sdelay $0x3  }
0x33: {  	p0 =	seq.s32 s10, $0x1;
	s10 =	sld [smem:$0x3FBA];
	_ =	sdelay $0x3  }
0x34: {  	[smem:$0x3FBA] =	sst s10  }
0x35: {  	s10 =	sld [smem:$0x3FB9];
	_ =	sdelay $0x3  }
0x36: {  	p1 =	seq.s32 s10, $0x1;
	s10 =	sld [smem:$0x3FBA];
	_ =	sdelay $0x3  }
0x37: {  	[smem:$0x3FBA] =	sst s10  }
0x38: {  	s10 =	sld [smem:$0x3FBB]  }
0x39: {  	_ = 	snop;
	(pc) =	sbr.ind lr, $3  }
0x3a: {  	_ = 	snop  }
0x3b: {  	_ = 	snop  }
0x3c: {  	p2 =	seq.s32 s10, $0x1;
	s10 =	sld [smem:$0x3FBA]  }
0x3d: {  	_ =	shalt  }
0x3e: {  	_ =	shalt  }
0x3f: {  	_ =	shalt  }
0x40: {  	_ =	shalt  }
0x41: {  	_ =	shalt  }
0x42: {  	_ =	shalt  }
0x43: {  	_ =	shalt  }
0x44: {  	_ =	shalt  }
0x45: {  	_ =	shalt  }
0x46: {  	_ =	shalt  }
0x47: {  	_ =	shalt  }
0x48: {  	_ =	shalt  }
0x49: {  	_ =	shalt  }
0x4a: {  	_ =	shalt  }
0x4b: {  	_ =	shalt  }
0x4c: {  	_ =	shalt  }
0x4d: {  	_ =	shalt  }
0x4e: {  	_ =	shalt  }
0x4f: {  	_ =	shalt  }
0x50: {  	_ =	shalt  }
0x51: {  	_ =	shalt  }
0x52: {  	_ =	shalt  }
0x53: {  	_ =	shalt  }
0x54: {  	_ =	shalt  }
0x55: {  	_ =	shalt  }
0x56: {  	_ =	shalt  }
0x57: {  	_ =	shalt  }
0x58: {  	_ =	shalt  }
0x59: {  	_ =	shalt  }
0x5a: {  	_ =	shalt  }
0x5b: {  	_ =	shalt  }
0x5c: {  	_ =	shalt  }
0x5d: {  	_ =	shalt  }
0x5e: {  	_ =	shalt  }
0x5f: {  	_ =	shalt  }
0x60: {  	_ =	shalt  }
0x61: {  	_ =	shalt  }
0x62: {  	_ =	shalt  }
0x63: {  	_ =	shalt  }
0x64: {  	_ =	shalt  }
0x65: {  	_ =	shalt  }
0x66: {  	_ =	shalt  }
0x67: {  	_ =	shalt  }
0x68: {  	_ =	shalt  }
0x69: {  	_ =	shalt  }
0x6a: {  	_ =	shalt  }
0x6b: {  	_ =	shalt  }
0x6c: {  	_ =	shalt  }
0x6d: {  	_ =	shalt  }
0x6e: {  	_ =	shalt  }
0x6f: {  	_ =	shalt  }
0x70: {  	_ =	shalt  }
0x71: {  	_ =	shalt  }
0x72: {  	_ =	shalt  }
0x73: {  	_ =	shalt  }
0x74: {  	_ =	shalt  }
0x75: {  	_ =	shalt  }
0x76: {  	_ =	shalt  }
0x77: {  	_ =	shalt  }
0x78: {  	_ =	shalt  }
0x79: {  	_ =	shalt  }
0x7a: {  	_ =	shalt  }
0x7b: {  	_ =	shalt  }
0x7c: {  	_ =	shalt  }
0x7d: {  	_ =	shalt  }
0x7e: {  	_ =	shalt  }
0x7f: {  	_ =	shalt  }
0x80: {  	_ =	shalt  }
0x81: {  	_ =	shalt  }
0x82: {  	_ =	shalt  }
0x83: {  	_ =	shalt  }
0x84: {  	_ =	shalt  }
0x85: {  	_ =	shalt  }
0x86: {  	_ =	shalt  }
0x87: {  	_ =	shalt  }
.Lfunc_end0:
.L_simem_size_0:
called_computation_lowered:
.L_overlay_start_0:
0x88: {  	s2 =	sld [smem:$0x3FD9]  }
0x89: {  	s3 =	sld [smem:$0x3FFE];
	_ =	sdelay $0x1  }
0x8a: {  	s1 =	srdreg.scid  }
0x8b: {  	s0 =	sand.u32 $0x1, s1  }
0x8c: {  	s17 =	sshll.u32 s0, $0xA;
	s2 =	sadd.s32 s3, s2  }
0x8d: {  	s2 =	sadd.s32 s2, s17  }
0x8e: {  	[smem:$0x3FC6] =	sst s2  }
0x8f: {  	_ = 	snop  }
0x90: {  	s2 =	sld [smem:$0x3FC9]  }
0x91: {  	s18 =	sld [smem:$0x3FC8];
	(tm) =	ssettm $0x1  }
0x92: {  	s4 =	sld [smem:$0x3FFB];
	_ =	sdelay $0x3  }
0x93: {  	_ =	strace s4  }
0x94: {  	s4 =	sld [smem:$0x3FFC];
	_ =	sdelay $0x3  }
0x95: {  	_ =	strace s4  }
0x96: {  	s4 =	sld [smem:$0x3FFD];
	_ =	sdelay $0x3  }
0x97: {  	_ =	strace s4  }
0x98: {  	_ =	strace $0x8FFFFFFF  }
0x99: {  	s19 =	sld [smem:$0x3FDB];
	_ =	sdelay $0x1  }
0x9a: {  	s5 =	simm.s32 $_scs_section_size  }
0x9b: {  	s6 =	simm.s32 $_size__tile_overlayer_lowered;
	s7 =	simm.s32 $_tile_overlayer_lowered  }
0x9c: {  	s22 =	simm.s32 $0x1BFF;
	s21 =	sshll.u32 s7, $0x1;
	s4 =	sadd.s32 s5, s19  }
0x9d: {  	s8 =	simm.s32 $0x0;
	s20 =	sshll.u32 s6, $0x1;
	s6 =	sadd.s32 s21, s4  }
0x9e: {  	[timem:s8], [sflag:s22] =	dma.local [hbm:s6], s20  }
0x9f: {  	_ =	swait.ge [sflag:s22], s20  }
0xa0: {  	s5 =	ssub.s32 $0x0, s20;
	[sflag:s22] =	ssyncset.done $0x0  }
0xa1: {  	[sflag:s22] =	ssyncadd.s32 s5;
	_ =	sdelay $0x1  }
0xa2: {  	s23 =	simm.s32 $0x1B8B  }
0xa3: {  	_ =	swait.ge [sflag:s23], $0x1  }
0xa4: {  	[sflag:s23] =	ssyncset.done $0x0  }
0xa5: {  	s25 =	simm.s32 $0x1B8E;
	s24 =	sld [smem:$0x3FFE];
	[sflag:s23] =	ssyncadd.s32 $0xFFFFFFFF  }
0xa6: {  	s26 =	simm.s32 $execute0_lowered;
	[smem:$0x3FD2] =	sst s25  }
0xa7: {  	s6 =	sshll.u32 s26, $0x1;
	_ =	strace $0x80000046;
	[dreg:$0x1] =	wrdreg $0xFFFFFFFF  }
0xa8: {  	s28 =	simm.s32 $_size_execute0_lowered;
	s4 =	sadd.s32 s4, s6;
	[dreg:$0x0] =	wrdreg $0x0  }
0xa9: {  	s6 =	sshll.u32 s28, $0x1;
	[dreg:$0x2] =	wrdreg s4  }
0xaa: {  	[dreg:$0x3] =	wrdreg s6  }
0xab: {  	[dreg:$0x4] =	wrdreg $0xC0  }
0xac: {  	_ =	task [dreg:s8], $0x5FFFF  }
0xad: {  	[dreg:$0x1] =	wrdreg $0xFFFFFFFF  }
0xae: {  	[dreg:$0x0] =	wrdreg $0x60  }
0xaf: {  	[dreg:$0x2] =	wrdreg s2  }
0xb0: {  	[dreg:$0x3] =	wrdreg s18  }
0xb1: {  	[dreg:$0x4] =	wrdreg s24  }
0xb2: {  	[dreg:$0x5] =	wrdreg $0x9  }
0xb3: {  	_ =	task.clear_ibuf [dreg:s8], $0x6FFFF;
	_ =	strace $0x90000046  }
0xb4: {  	s29 =	simm.s32 $0x9;
	_ =	strace $0x80000048  }
0xb5: {  	_ =	swait.ge [sflag:s29], $0x1  }
0xb6: {  	[sflag:s29] =	ssyncadd.s32 $0xFFFFFFFF  }
0xb7: {  	_ =	strace $0x90000048  }
0xb8: {  	_ =	sfence  }
0xb9: {  	s30 =	sld [smem:$0x0];
	_ =	sdelay $0x2  }
0xba: {  	s31 =	sshll.u32 s1, $0xD;
	s1 =	sshrl.u32 s1, $0x2  }
0xbb: {  	s3 =	sand.u32 $0x4000, s31;
	s1 =	sadd.s32 s1, s30  }
0xbc: {  	s0 =	sor.u32 s3, s0;
	s1 =	sshll.u32 s1, $0x11  }
0xbd: {  	s0 =	sor.u32 s1, s0  }
0xbe: {  	s0 =	sadd.s32 $0x8F2B, s0  }
0xbf: {  	[sflag:s0] =	ssyncadd.remote.s32 $0x1  }
0xc0: {  	_ =	sfence.sel $0xFFFF  }
0xc1: {  	[dreg:$0x0] =	wrdreg $0xFFFFFFFF;
	(pc) =	sbr.abs _section_cstart, $3  }
0xc2: {  	[dreg:$0x1] =	wrdreg $0xFFFFFFFF  }
0xc3: {  	_ =	task.clear_ibuf [dreg:s8], $0x2FFFF;
	_ =	strace $0x9FFFFFFF  }
0xc4: {  	(tm) =	ssettm $0x7FFFFFFF  }
0xc5: {  	_ =	shalt  }
tec
execute0_lowered:
.L_overlay_start_1:
0x0: {  	(tag) =	ssettag $0x1  }
0x1: {  	s1 =	rddreg [dreg:$0x0]  }
0x2: {  	s2 =	rddreg [dreg:$0x1]  }
0x3: {  	s0 =	rddreg [dreg:$0x2]  }
0x4: {  	s4 =	simm.s32 $0x0;
	s3 =	srdreg.scid;
	s5 =	stileid.u32  }
0x5: {  	s13 =	simm.s32 $0x5;
	s14 =	simm.s32 $0x2400;
	s15 =	simm.s32 $0x4400  }
0x6: {  	s16 =	simm.s32 $0x6400;
	s17 =	simm.s32 $0x8400;
	s18 =	simm.s32 $0x1  }
0x7: {  	s19 =	simm.s32 $0x2;
	s20 =	simm.s32 $0xA400;
	s21 =	simm.s32 $0xC400  }
0x8: {  	s22 =	simm.s32 $0x3;
	s23 =	simm.s32 $0x4;
	s24 =	simm.s32 $0x0  }
0x9: {  	[smem:$0x7FF] =	sst s4;
	s3 =	sand.u32 $0x1, s3;
	s5 =	sshll.u32 s5, $0x1  }
0xa: {  	s29 =	sadd.s32 $0xC00, s0;
	_ =	strace $0x80000047;
	s6 =	sor.u32 s3, s5  }
0xb: {  	s3 =	ssub.s32 $0x2, s3;
	s7 =	sshll.u32 s6, $0xA;
	s6 =	sshll.u32 s6, $0x10  }
0xc: {  	[dreg:$0x4] =	wrdreg s29;
	s8 =	sshrl.u32 s3, $0x1;
	s30 =	sadd.s32 s1, s6  }
0xd: {  	s0 =	sadd.s32 s7, s0;
	s31 =	sadd.s32 s2, s6;
	[dreg:$0x5] =	wrdreg s30  }
0xe: {  	v0 =	vimm.f32 $0.0e+00;
	s3 =	ssub.s32 s3, s8;
	s12 =	sor.u32 $0x400, s6;
	[dreg:$0x6] =	wrdreg s31  }
0xf: {  	v1 =	vlaneseq.u32;
	v2 =	vimm.s32 $0x0;
	v3 =	vimm.f32 $1.000000000e+00;
	s9 =	sadd.s32 $0x1200, s0;
	s10 =	sadd.s32 $0x9200, s0;
	s11 =	smax.u32 s3, $0x1  }
.LBB2_1:
0x10: {  	s0 =	rddreg [dreg:$0x4]  }
0x11: {  	[tilespmem:s4], [sflag:$0x5] =	stream.linear.gather [hbm4b:s0+s4], $0x2400, $0x38;
	[tilespmem:$0xE400] =	vst v63  }
0x12: {  	_ =	swait.ge [sflag:s13], $0x2400  }
0x13: {  	[sflag:s13] =	ssyncset.done $0x0  }
0x14: {  	[sflag:s13] =	ssyncadd.s32 $0xFFFFDC00  }
0x15: {  	[tilespmem:$0xA400] =	vst v0  }
0x16: {  	[tilespmem:$0xC400] =	vst v0  }
0x17: {  	[tilespmem:$0xA480] =	vst v0  }
0x18: {  	[tilespmem:$0xC480] =	vst v0  }
0x19: {  	[tilespmem:$0xA500] =	vst v0  }
0x1a: {  	[tilespmem:$0xC500] =	vst v0  }
0x1b: {  	[tilespmem:$0xA580] =	vst v0  }
0x1c: {  	[tilespmem:$0xC580] =	vst v0  }
0x1d: {  	[tilespmem:$0xA600] =	vst v0  }
0x1e: {  	[tilespmem:$0xC600] =	vst v0  }
0x1f: {  	[tilespmem:$0xA680] =	vst v0  }
0x20: {  	[tilespmem:$0xC680] =	vst v0  }
0x21: {  	[tilespmem:$0xA700] =	vst v0  }
0x22: {  	[tilespmem:$0xC700] =	vst v0  }
0x23: {  	[tilespmem:$0xA780] =	vst v0  }
0x24: {  	[tilespmem:$0xC780] =	vst v0  }
0x25: {  	[tilespmem:$0xA800] =	vst v0  }
0x26: {  	[tilespmem:$0xC800] =	vst v0  }
0x27: {  	[tilespmem:$0xA880] =	vst v0  }
0x28: {  	[tilespmem:$0xC880] =	vst v0  }
0x29: {  	[tilespmem:$0xA900] =	vst v0  }
0x2a: {  	[tilespmem:$0xC900] =	vst v0  }
0x2b: {  	[tilespmem:$0xA980] =	vst v0  }
0x2c: {  	[tilespmem:$0xC980] =	vst v0  }
0x2d: {  	[tilespmem:$0xAA00] =	vst v0  }
0x2e: {  	[tilespmem:$0xCA00] =	vst v0  }
0x2f: {  	[tilespmem:$0xAA80] =	vst v0  }
0x30: {  	[tilespmem:$0xCA80] =	vst v0  }
0x31: {  	[tilespmem:$0xAB00] =	vst v0  }
0x32: {  	[tilespmem:$0xCB00] =	vst v0  }
0x33: {  	[tilespmem:$0xAB80] =	vst v0  }
0x34: {  	[tilespmem:$0xCB80] =	vst v0  }
0x35: {  	[tilespmem:$0xAC00] =	vst v0  }
0x36: {  	[tilespmem:$0xCC00] =	vst v0  }
0x37: {  	[tilespmem:$0xAC80] =	vst v0  }
0x38: {  	[tilespmem:$0xCC80] =	vst v0  }
0x39: {  	[tilespmem:$0xAD00] =	vst v0  }
0x3a: {  	[tilespmem:$0xCD00] =	vst v0  }
0x3b: {  	[tilespmem:$0xAD80] =	vst v0  }
0x3c: {  	[tilespmem:$0xCD80] =	vst v0  }
0x3d: {  	[tilespmem:$0xAE00] =	vst v0  }
0x3e: {  	[tilespmem:$0xCE00] =	vst v0  }
0x3f: {  	[tilespmem:$0xAE80] =	vst v0  }
0x40: {  	[tilespmem:$0xCE80] =	vst v0  }
0x41: {  	[tilespmem:$0xAF00] =	vst v0  }
0x42: {  	[tilespmem:$0xCF00] =	vst v0  }
0x43: {  	[tilespmem:$0xAF80] =	vst v0  }
0x44: {  	[tilespmem:$0xCF80] =	vst v0  }
0x45: {  	[tilespmem:$0xB000] =	vst v0  }
0x46: {  	[tilespmem:$0xD000] =	vst v0  }
0x47: {  	[tilespmem:$0xB080] =	vst v0  }
0x48: {  	[tilespmem:$0xD080] =	vst v0  }
0x49: {  	[tilespmem:$0xB100] =	vst v0  }
0x4a: {  	[tilespmem:$0xD100] =	vst v0  }
0x4b: {  	[tilespmem:$0xB180] =	vst v0  }
0x4c: {  	[tilespmem:$0xD180] =	vst v0  }
0x4d: {  	[tilespmem:$0xB200] =	vst v0  }
0x4e: {  	[tilespmem:$0xD200] =	vst v0  }
0x4f: {  	[tilespmem:$0xB280] =	vst v0  }
0x50: {  	[tilespmem:$0xD280] =	vst v0  }
0x51: {  	[tilespmem:$0xB300] =	vst v0  }
0x52: {  	[tilespmem:$0xD300] =	vst v0  }
0x53: {  	[tilespmem:$0xB380] =	vst v0  }
0x54: {  	[tilespmem:$0xD380] =	vst v0  }
0x55: {  	[tilespmem:$0xB400] =	vst v0  }
0x56: {  	[tilespmem:$0xD400] =	vst v0  }
0x57: {  	[tilespmem:$0xB480] =	vst v0  }
0x58: {  	[tilespmem:$0xD480] =	vst v0  }
0x59: {  	[tilespmem:$0xB500] =	vst v0  }
0x5a: {  	[tilespmem:$0xD500] =	vst v0  }
0x5b: {  	[tilespmem:$0xB580] =	vst v0  }
0x5c: {  	[tilespmem:$0xD580] =	vst v0  }
0x5d: {  	[tilespmem:$0xB600] =	vst v0  }
0x5e: {  	[tilespmem:$0xD600] =	vst v0  }
0x5f: {  	[tilespmem:$0xB680] =	vst v0  }
0x60: {  	[tilespmem:$0xD680] =	vst v0  }
0x61: {  	[tilespmem:$0xB700] =	vst v0  }
0x62: {  	[tilespmem:$0xD700] =	vst v0  }
0x63: {  	[tilespmem:$0xB780] =	vst v0  }
0x64: {  	[tilespmem:$0xD780] =	vst v0  }
0x65: {  	[tilespmem:$0xB800] =	vst v0  }
0x66: {  	[tilespmem:$0xD800] =	vst v0  }
0x67: {  	[tilespmem:$0xB880] =	vst v0  }
0x68: {  	[tilespmem:$0xD880] =	vst v0  }
0x69: {  	[tilespmem:$0xB900] =	vst v0  }
0x6a: {  	[tilespmem:$0xD900] =	vst v0  }
0x6b: {  	[tilespmem:$0xB980] =	vst v0  }
0x6c: {  	[tilespmem:$0xD980] =	vst v0  }
0x6d: {  	[tilespmem:$0xBA00] =	vst v0  }
0x6e: {  	[tilespmem:$0xDA00] =	vst v0  }
0x6f: {  	[tilespmem:$0xBA80] =	vst v0  }
0x70: {  	[tilespmem:$0xDA80] =	vst v0  }
0x71: {  	[tilespmem:$0xBB00] =	vst v0  }
0x72: {  	[tilespmem:$0xDB00] =	vst v0  }
0x73: {  	[tilespmem:$0xBB80] =	vst v0  }
0x74: {  	[tilespmem:$0xDB80] =	vst v0  }
0x75: {  	[tilespmem:$0xBC00] =	vst v0  }
0x76: {  	[tilespmem:$0xDC00] =	vst v0  }
0x77: {  	[tilespmem:$0xBC80] =	vst v0  }
0x78: {  	[tilespmem:$0xDC80] =	vst v0  }
0x79: {  	[tilespmem:$0xBD00] =	vst v0  }
0x7a: {  	[tilespmem:$0xDD00] =	vst v0  }
0x7b: {  	[tilespmem:$0xBD80] =	vst v0  }
0x7c: {  	[tilespmem:$0xDD80] =	vst v0  }
0x7d: {  	[tilespmem:$0xBE00] =	vst v0  }
0x7e: {  	[tilespmem:$0xDE00] =	vst v0  }
0x7f: {  	[tilespmem:$0xBE80] =	vst v0  }
0x80: {  	[tilespmem:$0xDE80] =	vst v0  }
0x81: {  	[tilespmem:$0xBF00] =	vst v0  }
0x82: {  	[tilespmem:$0xDF00] =	vst v0  }
0x83: {  	[tilespmem:$0xBF80] =	vst v0  }
0x84: {  	[tilespmem:$0xDF80] =	vst v0  }
0x85: {  	[tilespmem:$0xC000] =	vst v0  }
0x86: {  	[tilespmem:$0xE000] =	vst v0  }
0x87: {  	[tilespmem:$0xC080] =	vst v0  }
0x88: {  	[tilespmem:$0xE080] =	vst v0  }
0x89: {  	[tilespmem:$0xC100] =	vst v0  }
0x8a: {  	[tilespmem:$0xE100] =	vst v0  }
0x8b: {  	[tilespmem:$0xC180] =	vst v0  }
0x8c: {  	[tilespmem:$0xE180] =	vst v0  }
0x8d: {  	[tilespmem:$0xC200] =	vst v0  }
0x8e: {  	[tilespmem:$0xE200] =	vst v0  }
0x8f: {  	[tilespmem:$0xC280] =	vst v0  }
0x90: {  	[tilespmem:$0xE280] =	vst v0  }
0x91: {  	[tilespmem:$0xC300] =	vst v0  }
0x92: {  	[tilespmem:$0xE300] =	vst v0  }
0x93: {  	[tilespmem:$0xC380] =	vst v0  }
0x94: {  	s30 =	rddreg [dreg:$0x5];
	[tilespmem:$0xE380] =	vst v0  }
0x95: {  	[tilespmem:s14], [sflag:$0x1] =	stream.linear.gather [hbm4b:s30+s4], $0x2000, $0x38;
	[tilespmem:$0xE400] =	vst v63  }
0x96: {  	s25 =	simm.s32 $0x0;
	s31 =	rddreg [dreg:$0x6]  }
0x97: {  	[tilespmem:s15], [sflag:$0x2] =	stream.linear.gather [hbm4b:s31+s4], $0x2000, $0x38;
	[tilespmem:$0xE400] =	vst v63  }
.LBB2_2:
0x98: {  	s26 =	sshll.u32 s25, $0xB  }
0x99: {  	s0 =	sor.u32 s12, s26  }
0x9a: {  	s28 =	simm.s32 $0x0;
	s3 =	sadd.s32 s1, s0  }
0x9b: {  	[tilespmem:s16], [sflag:$0x3] =	stream.linear.gather [hbm4b:s3+s28], $0x2000, $0x38;
	[tilespmem:$0xE400] =	vst v63  }
0x9c: {  	s0 =	sadd.s32 s2, s0  }
0x9d: {  	[tilespmem:s17], [sflag:$0x4] =	stream.linear.gather [hbm4b:s0+s28], $0x2000, $0x38;
	[tilespmem:$0xE400] =	vst v63  }
0x9e: {  	_ =	swait.ge [sflag:s18], $0x2000  }
0x9f: {  	[sflag:s18] =	ssyncset.done $0x0  }
0xa0: {  	[sflag:s18] =	ssyncadd.s32 $0xFFFFE000  }
0xa1: {  	s5 =	sand.u32 $0x1C00, s28;
	s7 =	sand.u32 $0x380, s28;
	_ =	swait.ge [sflag:s19], $0x2000  }
0xa2: {  	s28 =	sand.u32 $0x60, s28;
	s0 =	sor.u32 s7, s5;
	[sflag:s19] =	ssyncset.done $0x0  }
0xa3: {  	s3 =	sor.u32 s28, s0;
	[sflag:s19] =	ssyncadd.s32 $0xFFFFE000  }
0xa4: {  	v5 =	vld [tilespmem:s3+$0x4410];
	_ =	sdelay $0x2  }
0xa5: {  	s8 =	simm.s32 $0x4;
	s28 =	simm.s32 $0x100  }
0xa6: {  	s29 =	simm.s32 $0x20;
	s0 =	sand.u32 $0x380, s8;
	s28 =	sand.u32 $0x1C00, s28  }
0xa7: {  	s29 =	sand.u32 $0x60, s29;
	s0 =	sor.u32 s0, s28;
	v4 =	vmul.f32 $6.399993520e+01, v5  }
0xa8: {  	s0 =	sor.u32 s29, s0;
	v9 =	vld [tilespmem:s3+$0x4400]  }
0xa9: {  	v7 =	vld [tilespmem:s0+$0x4410];
	v4 =	vadd.f32 $8.388608000e+06, v4;
	_ =	sdelay $0x1  }
0xaa: {  	s28 =	simm.s32 $0x8;
	s29 =	simm.s32 $0x200;
	v8 =	vand.u32 $0x7F, v4  }
0xab: {  	s30 =	simm.s32 $0x40;
	s28 =	sand.u32 $0x380, s28;
	s29 =	sand.u32 $0x1C00, s29;
	v6 =	vld [tilespmem:s3+$0x2400];
	v4 =	vshll.u32 v8, $0x7  }
0xac: {  	s30 =	sand.u32 $0x60, s30;
	s28 =	sor.u32 s28, s29;
	v11 =	vld [tilespmem:s0+$0x4400];
	v12 =	vmul.f32 $6.399993520e+01, v9;
	v4 =	vor.u32 v1, v4  }
0xad: {  	v13 =	vld [tilespmem:s0+$0x2400];
	s31 =	sor.u32 s30, s28;
	v10 =	vmul.f32 $6.399993520e+01, v7  }
0xae: {  	v19 =	vld [tilespmem:s31+$0x4410];
	v12 =	vadd.f32 $8.388608000e+06, v12  }
0xaf: {  	v17 =	vld [tilespmem:s3+$0x2410];
	v10 =	vadd.f32 $8.388608000e+06, v10  }
0xb0: {  	v12 =	vand.u32 $0x7F, v12  }
0xb1: {  	v15 =	vand.u32 $0x7F, v10;
	v16 =	vshll.u32 v12, $0x7;
	v14 =	vld.idx.msk [tilespmem:v4+s4+$0x0], $0xffff  }
0xb2: {  	v6 =	vsub.f32 v6, v9;
	v10 =	vshll.u32 v15, $0x7;
	v16 =	vor.u32 v1, v16  }
0xb3: {  	v21 =	vmul.f32 $6.399993520e+01, v19;
	v10 =	vor.u32 v1, v10;
	v4 =	vmul.f32 $6.399993520e+01, v11  }
0xb4: {  	v13 =	vsub.f32 v13, v11;
	v17 =	vsub.f32 v17, v5  }
0xb5: {  	v21 =	vadd.f32 $8.388608000e+06, v21;
	v18 =	vadd.f32 $8.388608000e+06, v4;
	v4 =	vld [tilespmem:s31+$0x4400]  }
0xb6: {  	s5 =	simm.s32 $0xC;
	s28 =	simm.s32 $0x300;
	v20 =	vld [tilespmem:s31+$0x2400];
	v6 =	vmul.f32 v6, v6;
	v13 =	vmul.f32 v13, v13;
	vm0 =	vge.f32 v14, v5  }
0xb7: {  	s29 =	simm.s32 $0x60;
	s3 =	sand.u32 $0x380, s5;
	s28 =	sand.u32 $0x1C00, s28;
	v17 =	vmul.f32 v17, v17;
	v21 =	vand.u32 $0x7F, v21;
	v16 =	vld.idx.msk [tilespmem:v16+s4+$0x0], $0xffff;
	v22 =	vsel vm0, $0xFFFFFFFF, v2  }
0xb8: {  	s29 =	sand.u32 $0x60, s29;
	s3 =	sor.u32 s3, s28;
	v24 =	vshll.u32 v21, $0x7;
	v10 =	vld.idx.msk [tilespmem:v10+s4+$0x0], $0xffff;
	v18 =	vand.u32 $0x7F, v18;
	v8 =	vadd.s32 v22, v8  }
0xb9: {  	s28 =	sor.u32 s29, s3;
	v24 =	vor.u32 v1, v24;
	v14 =	vshll.u32 v18, $0x7;
	v8 =	vshll.u32 v8, $0x7  }
0xba: {  	v5 =	vmul.f32 v13, v13;
	v13 =	vmul.f32 $6.399993520e+01, v4;
	v22 =	vor.u32 v1, v8;
	v8 =	vld [tilespmem:s28+$0x4410]  }
0xbb: {  	v23 =	vld [tilespmem:s0+$0x2410];
	v6 =	vmul.f32 v6, v6;
	v14 =	vor.u32 v1, v14  }
0xbc: {  	v17 =	vmul.f32 v17, v17;
	vm1 =	vge.f32 v16, v9;
	v13 =	vadd.f32 $8.388608000e+06, v13  }
0xbd: {  	vm13 =	vge.f32 v10, v7;
	v9 =	vld [tilespmem:s28+$0x4400];
	v16 =	vsel vm1, $0xFFFFFFFF, v2;
	v20 =	vsub.f32 v20, v4  }
0xbe: {  	v25 =	vld [tilespmem:s28+$0x2400];
	v12 =	vadd.s32 v16, v12;
	v10 =	vand.u32 $0x7F, v13;
	v13 =	vsel vm13, $0xFFFFFFFF, v2  }
0xbf: {  	v16 =	vld.idx.msk [tilespmem:v24+s4+$0x0], $0xffff;
	v12 =	vshll.u32 v12, $0x7;
	v13 =	vadd.s32 v13, v15;
	v26 =	vmul.f32 $6.399993520e+01, v8  }
0xc0: {  	s7 =	simm.s32 $0x10;
	s8 =	simm.s32 $0x400;
	v20 =	vmul.f32 v20, v20;
	v28 =	vld.idx.msk [tilespmem:v14+s4+$0x0], $0xffff;
	v14 =	vsub.f32 v23, v7;
	v13 =	vshll.u32 v13, $0x7  }
0xc1: {  	s0 =	sand.u32 $0x380, s7;
	s30 =	simm.s32 $0x80;
	s3 =	sand.u32 $0x1C00, s8;
	v15 =	vshll.u32 v10, $0x7;
	[tilespmem:v22+s20+$0x0] =	vst.idx.add.f32.msk $0xffff, v3;
	v23 =	vor.u32 v1, v13;
	v13 =	vadd.f32 $8.388608000e+06, v26  }
0xc2: {  	s29 =	sand.u32 $0x60, s30;
	s0 =	sor.u32 s0, s3;
	v7 =	vmul.f32 v20, v20;
	v27 =	vor.u32 v1, v15;
	[tilespmem:v22+s21+$0x0] =	vst.idx.add.f32.msk $0xffff, v17;
	v17 =	vmul.f32 $6.399993520e+01, v9  }
0xc3: {  	s29 =	sor.u32 s29, s0;
	v20 =	vmul.f32 v14, v14;
	v22 =	vsub.f32 v25, v9;
	v25 =	vld [tilespmem:s31+$0x2410];
	v14 =	vand.u32 $0x7F, v13  }
0xc4: {  	v15 =	vor.u32 v1, v12;
	v12 =	vadd.f32 $8.388608000e+06, v17;
	v13 =	vld [tilespmem:s29+$0x4410];
	v17 =	vshll.u32 v14, $0x7  }
0xc5: {  	v20 =	vmul.f32 v20, v20;
	vm14 =	vge.f32 v28, v11;
	v11 =	vld [tilespmem:s29+$0x4400];
	v26 =	vor.u32 v1, v17  }
0xc6: {  	vm15 =	vge.f32 v16, v19;
	[tilespmem:v23+s20+$0x0] =	vst.idx.add.f32.msk $0xffff, v3;
	v12 =	vand.u32 $0x7F, v12;
	v17 =	vsel vm14, $0xFFFFFFFF, v2  }
0xc7: {  	[tilespmem:v23+s21+$0x0] =	vst.idx.add.f32.msk $0xffff, v20;
	v23 =	vmul.f32 v22, v22;
	v20 =	vshll.u32 v12, $0x7;
	v22 =	vsel vm15, $0xFFFFFFFF, v2  }
0xc8: {  	v16 =	vld [tilespmem:s29+$0x2400];
	v20 =	vor.u32 v1, v20;
	v21 =	vadd.s32 v22, v21;
	v17 =	vadd.s32 v17, v18  }
0xc9: {  	v18 =	vld.idx.msk [tilespmem:v27+s4+$0x0], $0xffff;
	v27 =	vshll.u32 v21, $0x7;
	v22 =	vshll.u32 v17, $0x7;
	v24 =	vmul.f32 $6.399993520e+01, v13  }
0xca: {  	s3 =	simm.s32 $0x500;
	s0 =	simm.s32 $0x14;
	s31 =	simm.s32 $0x8;
	v17 =	vmul.f32 v23, v23;
	v23 =	vsub.f32 v25, v19;
	v19 =	vor.u32 v1, v27;
	v21 =	vld.idx.msk [tilespmem:v26+s4+$0x0], $0xffff  }
.LBB2_3:
0xcb: {  	s5 =	sand.u32 $0x1C00, s3;
	s7 =	sand.u32 $0x380, s0;
	v24 =	vadd.f32 $8.388608000e+06, v24;
	s30 =	sadd.s32 $0x20, s30;
	v27 =	vor.u32 v1, v22;
	[tilespmem:v15+s20+$0x0] =	vst.idx.add.f32.msk $0xffff, v3;
	v25 =	vmovc v8;
	v8 =	vmov v13  }
0xcc: {  	s31 =	sadd.s32 $0x2, s31;
	v22 =	vmovc v20;
	s8 =	sand.u32 $0x60, s30;
	s5 =	sor.u32 s7, s5;
	v26 =	vmul.f32 $6.399993520e+01, v11;
	v23 =	vmul.f32 v23, v23;
	[tilespmem:v15+s21+$0x0] =	vst.idx.add.f32.msk $0xffff, v6;
	v15 =	vmov v27  }
0xcd: {  	p0 =	slt.u32 s31, $0x1FE;
	v6 =	vmovc v5;
	v5 =	vmovc v7;
	v7 =	vmov v17;
	v16 =	vsub.f32 v16, v11;
	v24 =	vand.u32 $0x7F, v24;
	v27 =	vld [tilespmem:s28+$0x2410];
	s28 =	smov.u32 s29;
	s29 =	sor.u32 s8, s5  }
0xce: {  	v13 =	vld [tilespmem:s29+$0x4410];
	v17 =	vadd.f32 $8.388608000e+06, v26;
	v20 =	vshll.u32 v24, $0x7;
	v23 =	vmul.f32 v23, v23  }
0xcf: {  	vm0 =	vge.f32 v18, v4;
	v4 =	vmov v9;
	v26 =	vor.u32 v1, v20;
	[tilespmem:v19+s20+$0x0] =	vst.idx.add.f32.msk $0xffff, v3  }
.Ltmp0:
0xd0: {  	v9 =	vmovc v11;
	vm1 =	vge.f32 v21, v25;
	v18 =	vsel vm0, $0xFFFFFFFF, v2;
	v17 =	vand.u32 $0x7F, v17;
	[tilespmem:v19+s21+$0x0] =	vst.idx.add.f32.msk $0xffff, v23;
	(pc) =	sbr.rel @p0 .LBB2_3-.Ltmp0, $4  }
0xd1: {  	v19 =	vmul.f32 v16, v16;
	v21 =	vsel vm1, $0xFFFFFFFF, v2;
	v11 =	vld [tilespmem:s29+$0x4400];
	v20 =	vshll.u32 v17, $0x7  }
0xd2: {  	v23 =	vadd.s32 v18, v10;
	v21 =	vadd.s32 v21, v14;
	v14 =	vmovc v24;
	v16 =	vld [tilespmem:s29+$0x2400];
	v20 =	vor.u32 v1, v20  }
0xd3: {  	v10 =	vmovc v12;
	v12 =	vmovc v17;
	v28 =	vshll.u32 v21, $0x7;
	v24 =	vmul.f32 $6.399993520e+01, v13;
	v18 =	vld.idx.msk [tilespmem:v22+s4+$0x0], $0xffff;
	v22 =	vshll.u32 v23, $0x7  }
0xd4: {  	s0 =	sadd.s32 $0x4, s0;
	s3 =	sadd.s32 $0x100, s3;
	v17 =	vmul.f32 v19, v19;
	v23 =	vsub.f32 v27, v25;
	v19 =	vor.u32 v1, v28;
	v21 =	vld.idx.msk [tilespmem:v26+s4+$0x0], $0xffff  }
0xd5: {  	_ =	sdelay $0x1  }
0xd6: {  	v24 =	vadd.f32 $8.388608000e+06, v24;
	v25 =	vmul.f32 $6.399993520e+01, v11;
	_ =	sdelay $0x1  }
0xd7: {  	[tilespmem:v15+s20+$0x0] =	vst.idx.add.f32.msk $0xffff, v3;
	v24 =	vand.u32 $0x7F, v24;
	v25 =	vadd.f32 $8.388608000e+06, v25  }
0xd8: {  	[tilespmem:v15+s21+$0x0] =	vst.idx.add.f32.msk $0xffff, v6;
	v26 =	vshll.u32 v24, $0x7  }
0xd9: {  	v15 =	vld [tilespmem:s28+$0x2410];
	v26 =	vor.u32 v1, v26;
	v25 =	vand.u32 $0x7F, v25  }
0xda: {  	v22 =	vor.u32 v1, v22;
	vm0 =	vge.f32 v21, v8;
	v6 =	vshll.u32 v25, $0x7  }
0xdb: {  	v21 =	vsel vm0, $0xFFFFFFFF, v2;
	v6 =	vor.u32 v1, v6  }
0xdc: {  	v20 =	vld.idx.msk [tilespmem:v20+s4+$0x0], $0xffff;
	v14 =	vadd.s32 v21, v14  }
0xdd: {  	[tilespmem:v19+s20+$0x0] =	vst.idx.add.f32.msk $0xffff, v3;
	vm8 =	vge.f32 v18, v4;
	v4 =	vshll.u32 v14, $0x7  }
0xde: {  	v8 =	vsub.f32 v15, v8;
	v4 =	vor.u32 v1, v4;
	v26 =	vld.idx.msk [tilespmem:v26+s4+$0x0], $0xffff  }
0xdf: {  	v18 =	vsel vm8, $0xFFFFFFFF, v2;
	[tilespmem:v22+s20+$0x0] =	vst.idx.add.f32.msk $0xffff, v3  }
0xe0: {  	v10 =	vadd.s32 v18, v10;
	v8 =	vmul.f32 v8, v8;
	v6 =	vld.idx.msk [tilespmem:v6+s4+$0x0], $0xffff  }
0xe1: {  	v23 =	vmul.f32 v23, v23;
	vm1 =	vge.f32 v20, v9;
	v21 =	vld [tilespmem:s29+$0x2410];
	v10 =	vshll.u32 v10, $0x7  }
0xe2: {  	[tilespmem:v22+s21+$0x0] =	vst.idx.add.f32.msk $0xffff, v5;
	v5 =	vsel vm1, $0xFFFFFFFF, v2;
	v10 =	vor.u32 v1, v10;
	v8 =	vmul.f32 v8, v8  }
0xe3: {  	v5 =	vadd.s32 v5, v12;
	[tilespmem:v4+s20+$0x0] =	vst.idx.add.f32.msk $0xffff, v3;
	vm9 =	vge.f32 v26, v13  }
0xe4: {  	v14 =	vmul.f32 v23, v23;
	[tilespmem:v4+s21+$0x0] =	vst.idx.add.f32.msk $0xffff, v8;
	v4 =	vshll.u32 v5, $0x7;
	v9 =	vsel vm9, $0xFFFFFFFF, v2  }
0xe5: {  	v4 =	vor.u32 v1, v4;
	v9 =	vadd.s32 v9, v24;
	vm10 =	vge.f32 v6, v11  }
0xe6: {  	[tilespmem:v19+s21+$0x0] =	vst.idx.add.f32.msk $0xffff, v14;
	v12 =	vsub.f32 v21, v13;
	v9 =	vshll.u32 v9, $0x7;
	v5 =	vsel vm10, $0xFFFFFFFF, v2  }
0xe7: {  	[tilespmem:v10+s20+$0x0] =	vst.idx.add.f32.msk $0xffff, v3;
	v9 =	vor.u32 v1, v9;
	v5 =	vadd.s32 v5, v25  }
0xe8: {  	[tilespmem:v10+s21+$0x0] =	vst.idx.add.f32.msk $0xffff, v7;
	v5 =	vshll.u32 v5, $0x7  }
0xe9: {  	v8 =	vsub.f32 v16, v11;
	v6 =	vmul.f32 v12, v12;
	v5 =	vor.u32 v1, v5  }
0xea: {  	[tilespmem:v4+s20+$0x0] =	vst.idx.add.f32.msk $0xffff, v3  }
0xeb: {  	v7 =	vmul.f32 v8, v8;
	v6 =	vmul.f32 v6, v6;
	[tilespmem:v4+s21+$0x0] =	vst.idx.add.f32.msk $0xffff, v17  }
0xec: {  	s0 =	sadd.s32 $0x800, s26;
	[tilespmem:v9+s20+$0x0] =	vst.idx.add.f32.msk $0xffff, v3  }
0xed: {  	s0 =	sand.u32 $0xF800, s0;
	[tilespmem:v9+s21+$0x0] =	vst.idx.add.f32.msk $0xffff, v6;
	v6 =	vmul.f32 v7, v7  }
0xee: {  	s0 =	sor.u32 s6, s0;
	[tilespmem:v5+s20+$0x0] =	vst.idx.add.f32.msk $0xffff, v3  }
0xef: {  	s5 =	simm.s32 $0x0;
	s3 =	sadd.s32 s1, s0;
	[tilespmem:v5+s21+$0x0] =	vst.idx.add.f32.msk $0xffff, v6  }
0xf0: {  	[tilespmem:s14], [sflag:$0x1] =	stream.linear.gather [hbm4b:s3+s5], $0x2000, $0x38;
	[tilespmem:$0xE400] =	vst v63  }
0xf1: {  	s0 =	sadd.s32 s2, s0  }
0xf2: {  	[tilespmem:s15], [sflag:$0x2] =	stream.linear.gather [hbm4b:s0+s5], $0x2000, $0x38;
	[tilespmem:$0xE400] =	vst v63  }
0xf3: {  	_ =	swait.ge [sflag:s22], $0x2000  }
0xf4: {  	[sflag:s22] =	ssyncset.done $0x0  }
0xf5: {  	[sflag:s22] =	ssyncadd.s32 $0xFFFFE000  }
0xf6: {  	s26 =	sand.u32 $0x1C00, s5;
	s31 =	sand.u32 $0x380, s5;
	_ =	swait.ge [sflag:s23], $0x2000  }
0xf7: {  	s5 =	sand.u32 $0x60, s5;
	s0 =	sor.u32 s31, s26;
	[sflag:s23] =	ssyncset.done $0x0  }
0xf8: {  	s3 =	sor.u32 s5, s0;
	[sflag:s23] =	ssyncadd.s32 $0xFFFFE000  }
0xf9: {  	v5 =	vld [tilespmem:s3+$0x8410];
	_ =	sdelay $0x2  }
0xfa: {  	s7 =	simm.s32 $0x4;
	s8 =	simm.s32 $0x100  }
0xfb: {  	s5 =	sand.u32 $0x1C00, s8;
	s0 =	sand.u32 $0x380, s7;
	s7 =	simm.s32 $0x20  }
0xfc: {  	s7 =	sand.u32 $0x60, s7;
	s0 =	sor.u32 s0, s5;
	v4 =	vmul.f32 $6.399993520e+01, v5  }
0xfd: {  	s0 =	sor.u32 s7, s0;
	v9 =	vld [tilespmem:s3+$0x8400]  }
0xfe: {  	v7 =	vld [tilespmem:s0+$0x8410];
	v4 =	vadd.f32 $8.388608000e+06, v4;
	_ =	sdelay $0x1  }
0xff: {  	s26 =	simm.s32 $0x8;
	s31 =	simm.s32 $0x200;
	v8 =	vand.u32 $0x7F, v4  }
0x100: {  	s8 =	simm.s32 $0x40;
	s5 =	sand.u32 $0x380, s26;
	s7 =	sand.u32 $0x1C00, s31;
	v6 =	vld [tilespmem:s3+$0x6400];
	v4 =	vshll.u32 v8, $0x7  }
0x101: {  	s8 =	sand.u32 $0x60, s8;
	s5 =	sor.u32 s5, s7;
	v11 =	vld [tilespmem:s0+$0x8400];
	v12 =	vmul.f32 $6.399993520e+01, v9;
	v4 =	vor.u32 v1, v4  }
0x102: {  	s30 =	sor.u32 s8, s5;
	v13 =	vld [tilespmem:s0+$0x6400];
	v10 =	vmul.f32 $6.399993520e+01, v7  }
0x103: {  	v19 =	vld [tilespmem:s30+$0x8410];
	v12 =	vadd.f32 $8.388608000e+06, v12  }
0x104: {  	v17 =	vld [tilespmem:s3+$0x6410];
	v10 =	vadd.f32 $8.388608000e+06, v10  }
0x105: {  	v12 =	vand.u32 $0x7F, v12  }
0x106: {  	v15 =	vand.u32 $0x7F, v10;
	v16 =	vshll.u32 v12, $0x7;
	v14 =	vld.idx.msk [tilespmem:v4+s4+$0x0], $0xffff  }
0x107: {  	v6 =	vsub.f32 v6, v9;
	v10 =	vshll.u32 v15, $0x7;
	v16 =	vor.u32 v1, v16  }
0x108: {  	v21 =	vmul.f32 $6.399993520e+01, v19;
	v10 =	vor.u32 v1, v10;
	v4 =	vmul.f32 $6.399993520e+01, v11  }
0x109: {  	v13 =	vsub.f32 v13, v11;
	v17 =	vsub.f32 v17, v5  }
0x10a: {  	v21 =	vadd.f32 $8.388608000e+06, v21;
	v18 =	vadd.f32 $8.388608000e+06, v4;
	v4 =	vld [tilespmem:s30+$0x8400]  }
0x10b: {  	s26 =	simm.s32 $0x300;
	s8 =	simm.s32 $0xC;
	v20 =	vld [tilespmem:s30+$0x6400];
	v6 =	vmul.f32 v6, v6;
	v13 =	vmul.f32 v13, v13;
	vm11 =	vge.f32 v14, v5  }
0x10c: {  	s31 =	simm.s32 $0x60;
	s5 =	sand.u32 $0x1C00, s26;
	s3 =	sand.u32 $0x380, s8;
	v17 =	vmul.f32 v17, v17;
	v21 =	vand.u32 $0x7F, v21;
	v16 =	vld.idx.msk [tilespmem:v16+s4+$0x0], $0xffff;
	v22 =	vsel vm11, $0xFFFFFFFF, v2  }
0x10d: {  	s7 =	sand.u32 $0x60, s31;
	s3 =	sor.u32 s3, s5;
	v24 =	vshll.u32 v21, $0x7;
	v10 =	vld.idx.msk [tilespmem:v10+s4+$0x0], $0xffff;
	v18 =	vand.u32 $0x7F, v18;
	v8 =	vadd.s32 v22, v8  }
0x10e: {  	s26 =	sor.u32 s7, s3;
	v24 =	vor.u32 v1, v24;
	v14 =	vshll.u32 v18, $0x7;
	v8 =	vshll.u32 v8, $0x7  }
0x10f: {  	v5 =	vmul.f32 v13, v13;
	v13 =	vmul.f32 $6.399993520e+01, v4;
	v22 =	vor.u32 v1, v8;
	v8 =	vld [tilespmem:s26+$0x8410]  }
0x110: {  	v23 =	vld [tilespmem:s0+$0x6410];
	v6 =	vmul.f32 v6, v6;
	v14 =	vor.u32 v1, v14  }
0x111: {  	v17 =	vmul.f32 v17, v17;
	vm13 =	vge.f32 v16, v9;
	v13 =	vadd.f32 $8.388608000e+06, v13  }
0x112: {  	vm12 =	vge.f32 v10, v7;
	v9 =	vld [tilespmem:s26+$0x8400];
	v16 =	vsel vm13, $0xFFFFFFFF, v2;
	v20 =	vsub.f32 v20, v4  }
0x113: {  	v25 =	vld [tilespmem:s26+$0x6400];
	v12 =	vadd.s32 v16, v12;
	v10 =	vand.u32 $0x7F, v13;
	v13 =	vsel vm12, $0xFFFFFFFF, v2  }
0x114: {  	v16 =	vld.idx.msk [tilespmem:v24+s4+$0x0], $0xffff;
	v12 =	vshll.u32 v12, $0x7;
	v13 =	vadd.s32 v13, v15;
	v26 =	vmul.f32 $6.399993520e+01, v8  }
0x115: {  	s8 =	simm.s32 $0x400;
	s7 =	simm.s32 $0x10;
	v20 =	vmul.f32 v20, v20;
	v28 =	vld.idx.msk [tilespmem:v14+s4+$0x0], $0xffff;
	v14 =	vsub.f32 v23, v7;
	v13 =	vshll.u32 v13, $0x7  }
0x116: {  	s29 =	simm.s32 $0x80;
	s3 =	sand.u32 $0x1C00, s8;
	s0 =	sand.u32 $0x380, s7;
	v15 =	vshll.u32 v10, $0x7;
	[tilespmem:v22+s20+$0x0] =	vst.idx.add.f32.msk $0xffff, v3;
	v23 =	vor.u32 v1, v13;
	v13 =	vadd.f32 $8.388608000e+06, v26  }
0x117: {  	s31 =	sand.u32 $0x60, s29;
	s0 =	sor.u32 s0, s3;
	v7 =	vmul.f32 v20, v20;
	v27 =	vor.u32 v1, v15;
	[tilespmem:v22+s21+$0x0] =	vst.idx.add.f32.msk $0xffff, v17;
	v17 =	vmul.f32 $6.399993520e+01, v9  }
0x118: {  	s28 =	sor.u32 s31, s0;
	v20 =	vmul.f32 v14, v14;
	v22 =	vsub.f32 v25, v9;
	v25 =	vld [tilespmem:s30+$0x6410];
	v14 =	vand.u32 $0x7F, v13  }
0x119: {  	v15 =	vor.u32 v1, v12;
	v12 =	vadd.f32 $8.388608000e+06, v17;
	v13 =	vld [tilespmem:s28+$0x8410];
	v17 =	vshll.u32 v14, $0x7  }
0x11a: {  	v20 =	vmul.f32 v20, v20;
	vm14 =	vge.f32 v28, v11;
	v11 =	vld [tilespmem:s28+$0x8400];
	v26 =	vor.u32 v1, v17  }
0x11b: {  	vm15 =	vge.f32 v16, v19;
	[tilespmem:v23+s20+$0x0] =	vst.idx.add.f32.msk $0xffff, v3;
	v12 =	vand.u32 $0x7F, v12;
	v17 =	vsel vm14, $0xFFFFFFFF, v2  }
0x11c: {  	[tilespmem:v23+s21+$0x0] =	vst.idx.add.f32.msk $0xffff, v20;
	v23 =	vmul.f32 v22, v22;
	v20 =	vshll.u32 v12, $0x7;
	v22 =	vsel vm15, $0xFFFFFFFF, v2  }
0x11d: {  	v16 =	vld [tilespmem:s28+$0x6400];
	v20 =	vor.u32 v1, v20;
	v21 =	vadd.s32 v22, v21;
	v17 =	vadd.s32 v17, v18  }
0x11e: {  	v18 =	vld.idx.msk [tilespmem:v27+s4+$0x0], $0xffff;
	v27 =	vshll.u32 v21, $0x7;
	v22 =	vshll.u32 v17, $0x7;
	v24 =	vmul.f32 $6.399993520e+01, v13  }
0x11f: {  	s3 =	simm.s32 $0x500;
	s0 =	simm.s32 $0x14;
	s30 =	simm.s32 $0x8;
	v17 =	vmul.f32 v23, v23;
	v23 =	vsub.f32 v25, v19;
	v19 =	vor.u32 v1, v27;
	v21 =	vld.idx.msk [tilespmem:v26+s4+$0x0], $0xffff  }
.LBB2_5:
0x120: {  	s5 =	sand.u32 $0x1C00, s3;
	s7 =	sand.u32 $0x380, s0;
	v24 =	vadd.f32 $8.388608000e+06, v24;
	s29 =	sadd.s32 $0x20, s29;
	v27 =	vor.u32 v1, v22;
	[tilespmem:v15+s20+$0x0] =	vst.idx.add.f32.msk $0xffff, v3;
	v25 =	vmovc v8;
	v8 =	vmov v13  }
0x121: {  	s30 =	sadd.s32 $0x2, s30;
	v22 =	vmovc v20;
	s8 =	sand.u32 $0x60, s29;
	s5 =	sor.u32 s7, s5;
	v26 =	vmul.f32 $6.399993520e+01, v11;
	v23 =	vmul.f32 v23, v23;
	[tilespmem:v15+s21+$0x0] =	vst.idx.add.f32.msk $0xffff, v6;
	v15 =	vmov v27  }
0x122: {  	p0 =	slt.u32 s30, $0x1FE;
	v6 =	vmovc v5;
	v5 =	vmovc v7;
	v7 =	vmov v17;
	v16 =	vsub.f32 v16, v11;
	v24 =	vand.u32 $0x7F, v24;
	v27 =	vld [tilespmem:s26+$0x6410];
	s26 =	smov.u32 s28;
	s28 =	sor.u32 s8, s5  }
0x123: {  	v13 =	vld [tilespmem:s28+$0x8410];
	v17 =	vadd.f32 $8.388608000e+06, v26;
	v20 =	vshll.u32 v24, $0x7;
	v23 =	vmul.f32 v23, v23  }
0x124: {  	vm0 =	vge.f32 v18, v4;
	v4 =	vmov v9;
	v26 =	vor.u32 v1, v20;
	[tilespmem:v19+s20+$0x0] =	vst.idx.add.f32.msk $0xffff, v3  }
.Ltmp1:
0x125: {  	v9 =	vmovc v11;
	vm1 =	vge.f32 v21, v25;
	v18 =	vsel vm0, $0xFFFFFFFF, v2;
	v17 =	vand.u32 $0x7F, v17;
	[tilespmem:v19+s21+$0x0] =	vst.idx.add.f32.msk $0xffff, v23;
	(pc) =	sbr.rel @p0 .LBB2_5-.Ltmp1, $4  }
0x126: {  	v19 =	vmul.f32 v16, v16;
	v21 =	vsel vm1, $0xFFFFFFFF, v2;
	v11 =	vld [tilespmem:s28+$0x8400];
	v20 =	vshll.u32 v17, $0x7  }
0x127: {  	v23 =	vadd.s32 v18, v10;
	v21 =	vadd.s32 v21, v14;
	v14 =	vmovc v24;
	v16 =	vld [tilespmem:s28+$0x6400];
	v20 =	vor.u32 v1, v20  }
0x128: {  	v10 =	vmovc v12;
	v12 =	vmovc v17;
	v28 =	vshll.u32 v21, $0x7;
	v24 =	vmul.f32 $6.399993520e+01, v13;
	v18 =	vld.idx.msk [tilespmem:v22+s4+$0x0], $0xffff;
	v22 =	vshll.u32 v23, $0x7  }
0x129: {  	s0 =	sadd.s32 $0x4, s0;
	s3 =	sadd.s32 $0x100, s3;
	v17 =	vmul.f32 v19, v19;
	v23 =	vsub.f32 v27, v25;
	v19 =	vor.u32 v1, v28;
	v21 =	vld.idx.msk [tilespmem:v26+s4+$0x0], $0xffff  }
0x12a: {  	_ = 	snop  }
0x12b: {  	v24 =	vadd.f32 $8.388608000e+06, v24;
	v25 =	vmul.f32 $6.399993520e+01, v11;
	_ =	sdelay $0x1  }
0x12c: {  	v24 =	vand.u32 $0x7F, v24;
	v25 =	vadd.f32 $8.388608000e+06, v25  }
0x12d: {  	v26 =	vshll.u32 v24, $0x7  }
0x12e: {  	v52 =	vld [tilespmem:s26+$0x6410];
	v26 =	vor.u32 v1, v26;
	v25 =	vand.u32 $0x7F, v25  }
0x12f: {  	[tilespmem:v15+s20+$0x0] =	vst.idx.add.f32.msk $0xffff, v3;
	vm0 =	vge.f32 v21, v8;
	v51 =	vshll.u32 v25, $0x7  }
0x130: {  	[tilespmem:v15+s21+$0x0] =	vst.idx.add.f32.msk $0xffff, v6;
	v21 =	vsel vm0, $0xFFFFFFFF, v2;
	v6 =	vor.u32 v1, v51  }
0x131: {  	v53 =	vor.u32 v1, v22;
	v20 =	vld.idx.msk [tilespmem:v20+s4+$0x0], $0xffff;
	v14 =	vadd.s32 v21, v14  }
0x132: {  	[tilespmem:v19+s20+$0x0] =	vst.idx.add.f32.msk $0xffff, v3;
	vm13 =	vge.f32 v18, v4;
	v4 =	vshll.u32 v14, $0x7  }
0x133: {  	v57 =	vsub.f32 v52, v8;
	v4 =	vor.u32 v1, v4;
	v26 =	vld.idx.msk [tilespmem:v26+s4+$0x0], $0xffff  }
0x134: {  	v56 =	vld [tilespmem:s28+$0x6410];
	v18 =	vsel vm13, $0xFFFFFFFF, v2  }
0x135: {  	v10 =	vadd.s32 v18, v10;
	v8 =	vmul.f32 v57, v57;
	v6 =	vld.idx.msk [tilespmem:v6+s4+$0x0], $0xffff  }
0x136: {  	v54 =	vmul.f32 v23, v23;
	[tilespmem:v53+s20+$0x0] =	vst.idx.add.f32.msk $0xffff, v3;
	vm1 =	vge.f32 v20, v9;
	v10 =	vshll.u32 v10, $0x7  }
0x137: {  	[tilespmem:v53+s21+$0x0] =	vst.idx.add.f32.msk $0xffff, v5;
	v5 =	vsel vm1, $0xFFFFFFFF, v2;
	v10 =	vor.u32 v1, v10;
	v8 =	vmul.f32 v8, v8  }
0x138: {  	v5 =	vadd.s32 v5, v12;
	[tilespmem:v4+s20+$0x0] =	vst.idx.add.f32.msk $0xffff, v3;
	vm14 =	vge.f32 v26, v13  }
0x139: {  	v55 =	vmul.f32 v54, v54;
	[tilespmem:v4+s21+$0x0] =	vst.idx.add.f32.msk $0xffff, v8;
	v4 =	vshll.u32 v5, $0x7;
	v58 =	vsel vm14, $0xFFFFFFFF, v2  }
0x13a: {  	v4 =	vor.u32 v1, v4;
	v9 =	vadd.s32 v58, v24;
	vm15 =	vge.f32 v6, v11  }
0x13b: {  	[tilespmem:v19+s21+$0x0] =	vst.idx.add.f32.msk $0xffff, v55;
	v9 =	vshll.u32 v9, $0x7;
	v5 =	vsel vm15, $0xFFFFFFFF, v2  }
0x13c: {  	v59 =	vsub.f32 v56, v13;
	v9 =	vor.u32 v1, v9;
	v5 =	vadd.s32 v5, v25  }
0x13d: {  	v61 =	vsub.f32 v16, v11;
	[tilespmem:v10+s20+$0x0] =	vst.idx.add.f32.msk $0xffff, v3;
	v5 =	vshll.u32 v5, $0x7  }
0x13e: {  	s25 =	sadd.s32 $0x1, s25;
	v60 =	vmul.f32 v59, v59;
	[tilespmem:v10+s21+$0x0] =	vst.idx.add.f32.msk $0xffff, v7;
	v5 =	vor.u32 v1, v5  }
0x13f: {  	p0 =	sne.s32 s25, $0x20;
	[tilespmem:v4+s20+$0x0] =	vst.idx.add.f32.msk $0xffff, v3  }
.Ltmp2:
0x140: {  	v62 =	vmul.f32 v61, v61;
	v6 =	vmul.f32 v60, v60;
	[tilespmem:v4+s21+$0x0] =	vst.idx.add.f32.msk $0xffff, v17;
	(pc) =	sbr.rel @p0 .LBB2_2-.Ltmp2, $4  }
0x141: {  	[tilespmem:v9+s20+$0x0] =	vst.idx.add.f32.msk $0xffff, v3  }
0x142: {  	v63 =	vmul.f32 v62, v62;
	[tilespmem:v9+s21+$0x0] =	vst.idx.add.f32.msk $0xffff, v6  }
0x143: {  	[tilespmem:v5+s20+$0x0] =	vst.idx.add.f32.msk $0xffff, v3  }
0x144: {  	[tilespmem:v5+s21+$0x0] =	vst.idx.add.f32.msk $0xffff, v63  }
0x145: {  	_ =	swait.ge [sflag:s18], $0x2000  }
0x146: {  	[sflag:s18] =	ssyncset.done $0x0  }
0x147: {  	[sflag:s18] =	ssyncadd.s32 $0xFFFFE000  }
0x148: {  	_ =	swait.ge [sflag:s19], $0x2000  }
0x149: {  	[sflag:s19] =	ssyncset.done $0x0  }
0x14a: {  	[sflag:s19] =	ssyncadd.s32 $0xFFFFE000  }
0x14b: {  	[hbm4b:s9+s4] =	stream.linear.scatter [tilespmem:s20], [sflag:$0x5], $0x2000, $0x38;
	[tilespmem:$0xE400] =	vst v63  }
0x14c: {  	s24 =	sadd.s32 $0x1, s24;
	_ =	swait.ge [sflag:s13], $0x2000  }
0x14d: {  	p0 =	sne.s32 s24, s11;
	[sflag:s13] =	ssyncset.done $0x0  }
.Ltmp3:
0x14e: {  	[sflag:s13] =	ssyncadd.s32 $0xFFFFE000;
	(pc) =	sbr.rel @p0 .LBB2_1-.Ltmp3, $4  }
0x14f: {  	[hbm4b:s10+s4] =	stream.linear.scatter [tilespmem:s21], [sflag:$0x5], $0x2000, $0x38;
	[tilespmem:$0xE400] =	vst v63  }
0x150: {  	_ =	swait.ge [sflag:s13], $0x2000  }
0x151: {  	[sflag:s13] =	ssyncset.done $0x0  }
0x152: {  	[sflag:s13] =	ssyncadd.s32 $0xFFFFE000  }
0x153: {  	_ =	sfence.sel $0x180000  }
0x154: {  	[bflag:$0x0] =	sbarrier.arrive $0xFFFF  }
0x155: {  	_ =	strace $0x90000047  }
0x156: {  	s0 =	stileid.u32;
	[bflag:$0x2] =	sbarrier.arrive $0xFFFF  }
0x157: {  	p0 =	sne.s32 s0, $0x0;
	s0 =	rddreg [dreg:$0x3]  }
0x158: {  	s0 =	sadd.s32 @!p0 $0x100000, s0  }
0x159: {  	[sflag:s0] =	ssyncadd.tile.s32 @!p0 $0x1;
	_ =	shalt  }
.Lfunc_end2:
_tile_overlayer_lowered:
.L_overlay_start_2:
0x15a: {  	(tag) =	ssettag $0x2  }
0x15b: {  	s0 =	rddreg [dreg:$0x0];
	s2 =	stileid.u32  }
0x15c: {  	s1 =	rddreg [dreg:$0x1];
	p0 =	sne.s32 s2, $0x0  }
0x15d: {  	s3 =	rddreg [dreg:$0x2];
	[bflag:$0x3] =	sbarrier.arrive $0xFFFF;
	s2 =	simm.s32 @!p0 $0x1C05  }
0x15e: {  	[timem:s3], [sflag:s2] =	dma.local @!p0 [hbm:s0], s1  }
0x15f: {  	s0 =	simm.s32 @!p0 $0x5  }
0x160: {  	_ =	swait.ge @!p0 [sflag:s0], s1  }
0x161: {  	s1 =	ssub.s32 @!p0 $0x0, s1;
	[sflag:s0] =	ssyncset.done @!p0 $0x0  }
0x162: {  	[sflag:s0] =	ssyncadd.s32 @!p0 s1  }
0x163: {  	[bflag:$0x3] =	sbarrier.arrive $0xFFFF  }
0x164: {  	_ =	shalt  }

</sc_bundles>
